<compile_context>
chip_gen: v7x
topology: tpu7x:2x2x1
jax: 0.10.2.dev20260603
libtpu: 0.0.44.dev20260713+nightly
codegen_flags: <defaults>
</compile_context>

<pallas_src>
import functools

import jax
import jax.numpy as jnp
from jax import lax
from jax.experimental import pallas as pl
from jax.experimental.pallas import tpu as pltpu
from jax.experimental.pallas import tpu_sc as plsc

NC = 2
NS = 16
CH = 128


def _fourier_msg(x, w2, grid_size):
    n, in_feats = x.shape
    two_gi = w2.shape[0]
    out_feats = w2.shape[1]
    bn = 1000
    assert n % bn == 0

    def body(x_ref, w_ref, o_ref, feats_ref):
        xb = x_ref[...]
        c1 = jnp.cos(xb)
        s1 = jnp.sin(xb)
        t2 = c1 + c1
        ckm, skm = c1, s1
        ck, sk = t2 * c1 - 1.0, t2 * s1
        for k in range(grid_size):
            feats_ref[:, k * in_feats:(k + 1) * in_feats] = ckm.astype(jnp.bfloat16)
            feats_ref[:, (grid_size + k) * in_feats:(grid_size + k + 1) * in_feats] = (
                skm.astype(jnp.bfloat16))
            if k + 2 < grid_size:
                ckm, skm, ck, sk = ck, sk, t2 * ck - ckm, t2 * sk - skm
            else:
                ckm, skm = ck, sk
        o_ref[...] = jnp.dot(feats_ref[...], w_ref[...],
                             preferred_element_type=jnp.float32)

    return pl.pallas_call(
        body,
        grid=(n // bn,),
        in_specs=[
            pl.BlockSpec((bn, in_feats), lambda i: (i, 0)),
            pl.BlockSpec((two_gi, out_feats), lambda i: (0, 0)),
        ],
        out_specs=pl.BlockSpec((bn, out_feats), lambda i: (i, 0)),
        out_shape=jax.ShapeDtypeStruct((n, out_feats), jnp.float32),
        scratch_shapes=[pltpu.VMEM((bn, two_gi), jnp.bfloat16)],
    )(x, w2)


def _edge_scatter(msg, src3, dst3, zeros_blk):
    n, out_feats = msg.shape
    nchunks = src3.shape[0]
    nw = NC * NS
    full_rounds = nchunks // nw
    extra = nchunks - full_rounds * nw
    npairs = full_rounds // 2
    assert full_rounds % 2 == 0
    row_stride = (n // NS) // 8 * 8
    row_win = n - (NS - 1) * row_stride
    assert row_win >= row_stride and row_win % 8 == 0

    mesh = plsc.VectorSubcoreMesh(core_axis_name="c", subcore_axis_name="s")

    blk = 26
    nblk = full_rounds // blk
    assert full_rounds == nblk * blk and blk % 2 == 0

    @functools.partial(
        pl.kernel,
        out_type=jax.ShapeDtypeStruct((NC, n, out_feats), jnp.float32),
        mesh=mesh,
        scratch_types=[
            pltpu.VMEM((blk, 1, CH), jnp.int32),
            pltpu.VMEM((blk, 1, CH), jnp.int32),
            pltpu.VMEM((blk, 1, CH), jnp.int32),
            pltpu.VMEM((blk, 1, CH), jnp.int32),
            pltpu.VMEM((2, 1, CH), jnp.int32),
            pltpu.VMEM((CH, out_feats), jnp.float32),
            pltpu.VMEM((CH, out_feats), jnp.float32),
            pltpu.VMEM_SHARED((n, out_feats), jnp.float32),
            pltpu.SemaphoreType.DMA,
            pltpu.SemaphoreType.DMA,
            pltpu.SemaphoreType.DMA,
            pltpu.SemaphoreType.DMA,
        ],
    )
    def k(msg_hbm, src_hbm, dst_hbm, zero_hbm, out_hbm,
          sb0, sb1, db0, db1, lft, rows0, rows1, acc, semi0, semi1, sem0, sem1):
        c = lax.axis_index("c")
        s = lax.axis_index("s")
        w = c * NS + s
        base = w * full_rounds

        sbufs = (sb0, sb1)
        dbufs = (db0, db1)
        sdesc = pltpu.async_copy(src_hbm.at[pl.ds(base, blk)], sb0, semi0)
        ddesc = pltpu.async_copy(dst_hbm.at[pl.ds(base, blk)], db0, semi1)
        pltpu.sync_copy(zero_hbm, acc.at[pl.ds(s * row_stride, row_win)])
        sdesc.wait()
        ddesc.wait()
        pltpu.async_copy(msg_hbm.at[sb0.at[0].at[0]], rows0, sem0)
        plsc.subcore_barrier()

        for ib in range(nblk):
            sb = sbufs[ib % 2]
            db = dbufs[ib % 2]
            if ib > 0:
                sdesc.wait()
                ddesc.wait()
            if ib + 1 < nblk:
                nxt = pl.ds(base + (ib + 1) * blk, blk)
                sdesc = pltpu.async_copy(src_hbm.at[nxt],
                                         sbufs[(ib + 1) % 2], semi0)
                ddesc = pltpu.async_copy(dst_hbm.at[nxt],
                                         dbufs[(ib + 1) % 2], semi1)

            if ib > 0:
                pltpu.async_copy(msg_hbm.at[sb.at[0].at[0]], rows0, sem0)

            @pl.loop(0, blk // 2)
            def _(p):
                a = 2 * p
                b = a + 1
                cb = pltpu.async_copy(msg_hbm.at[sb.at[b].at[0]], rows1, sem1)
                pltpu.make_async_copy(msg_hbm.at[sb.at[a].at[0]], rows0,
                                      sem0).wait()
                pltpu.sync_copy(rows0, acc.at[db.at[a].at[0]], add=True)
                @pl.when(p < blk // 2 - 1)
                def _():
                    pltpu.async_copy(msg_hbm.at[sb.at[a + 2].at[0]], rows0,
                                     sem0)
                cb.wait()
                pltpu.sync_copy(rows1, acc.at[db.at[b].at[0]], add=True)

        @pl.when(w < extra)
        def _():
            g = full_rounds * nw + w
            pltpu.sync_copy(src_hbm.at[g], lft.at[0])
            pltpu.sync_copy(dst_hbm.at[g], lft.at[1])
            pltpu.async_copy(msg_hbm.at[lft.at[0].at[0]], rows0, sem0).wait()
            pltpu.sync_copy(rows0, acc.at[lft.at[1].at[0]], add=True)

        plsc.subcore_barrier()
        pltpu.sync_copy(acc.at[pl.ds(s * row_stride, row_win)],
                        out_hbm.at[c].at[pl.ds(s * row_stride, row_win)])

    return k(msg, src3, dst3, zeros_blk)


def _combine(parts, bias2d):
    _, n, out_feats = parts.shape
    bn = 1000
    assert n % bn == 0

    def body(p_ref, b_ref, o_ref):
        o_ref[...] = p_ref[0] + p_ref[1] + b_ref[...]

    return pl.pallas_call(
        body,
        grid=(n // bn,),
        in_specs=[
            pl.BlockSpec((NC, bn, out_feats), lambda i: (0, i, 0)),
            pl.BlockSpec((1, out_feats), lambda i: (0, 0)),
        ],
        out_specs=pl.BlockSpec((bn, out_feats), lambda i: (i, 0)),
        out_shape=jax.ShapeDtypeStruct((n, out_feats), jnp.float32),
    )(parts, bias2d)


def kernel(x, edge_index, fouriercoeffs, bias):
    n, in_feats = x.shape
    out_feats = fouriercoeffs.shape[1]
    grid_size = fouriercoeffs.shape[3]
    e = edge_index.shape[1]
    assert e % CH == 0
    w2 = jnp.transpose(fouriercoeffs, (0, 3, 2, 1)).reshape(
        2 * grid_size * in_feats, out_feats).astype(jnp.bfloat16)
    msg = _fourier_msg(x, w2, grid_size)
    src3 = edge_index[0].reshape(e // CH, 1, CH)
    dst3 = edge_index[1].reshape(e // CH, 1, CH)
    row_win = n - (NS - 1) * ((n // NS) // 8 * 8)
    zeros_blk = jnp.zeros((row_win, out_feats), jnp.float32)
    parts = _edge_scatter(msg, src3, dst3, zeros_blk)
    return _combine(parts, bias.reshape(1, out_feats))

# --- scband reference (transcript-rebuilt; emitter-appended) ---
"""Pipeline reference for scband-naive-fourier-kanlayer-37142877176047 (READ-ONLY COPY).

The authoritative reference and input builder live on the scoring server;
editing this copy changes nothing except your own understanding.
"""

import jax, jax.numpy as jnp
import numpy as np

N = 10000
E = 320000
IN_FEATS = 128
OUT_FEATS = 128
GRIDSIZE = 8


def setup_inputs(seed: int = 0) -> dict:
    key = jax.random.key(seed)
    k1, k2 = jax.random.split(key, 2)
    x = jax.random.normal(k1, (N, IN_FEATS), dtype=jnp.float32)
    rng = np.random.default_rng(0)
    edge_index = jnp.asarray(rng.integers(0, N, size=(2, E)), dtype=jnp.int32)
    fouriercoeffs = jax.random.normal(k2, (2, OUT_FEATS, IN_FEATS, GRIDSIZE), dtype=jnp.float32) / (np.sqrt(IN_FEATS) * np.sqrt(GRIDSIZE))
    bias = jnp.zeros((OUT_FEATS,), dtype=jnp.float32)
    return {"x": x, "edge_index": edge_index, "fouriercoeffs": fouriercoeffs, "bias": bias}


def reference(x, edge_index, fouriercoeffs, bias):
    # Faithful translation of DGL update_all(message_func=fourier_transform, reduce=sum).
    # The message depends only on the source node feature, so we compute the
    # Fourier-KAN transform once per node, gather it onto edges (edges.src['h']),
    # and scatter-sum into destination nodes. This is mathematically identical
    # to evaluating the einsum per edge.
    n = x.shape[0]
    k = jnp.arange(1, GRIDSIZE + 1, dtype=x.dtype).reshape(1, 1, 1, GRIDSIZE)
    x_rshp = x.reshape(n, 1, x.shape[1], 1)
    cos_kx = jnp.cos(k * x_rshp).reshape(1, n, x.shape[1], GRIDSIZE)
    sin_kx = jnp.sin(k * x_rshp).reshape(1, n, x.shape[1], GRIDSIZE)
    feats = jnp.concatenate([cos_kx, sin_kx], axis=0)  # (2, N, in, grid)
    per_node_msg = jnp.einsum('dbik,djik->bj', feats, fouriercoeffs)  # (N, out)
    src = edge_index[0]
    dst = edge_index[1]
    msgs = jnp.take(per_node_msg, src, axis=0)  # gather: edges.src['h'] message
    h = jax.ops.segment_sum(msgs, dst, num_segments=n)  # fn.sum reduce
    h = h + bias
    return h

if __name__ == "__main__":
    import jax
    _d = setup_inputs()
    print(jax.jit(kernel)(*tuple(_d.values())))

</pallas_src>

<mosaic_0001>
#map = affine_map<(d0, d1) -> (0, 0)>
#map1 = affine_map<(d0, d1) -> (0, 0, 0)>
module attributes {stable_mosaic.version = 14 : i64} {
  func.func @k(%arg0: i32, %arg1: i32, %arg2: memref<10000x128xf32, #tpu.memory_space<hbm>>, %arg3: memref<2500x1x128xi32, #tpu.memory_space<hbm>>, %arg4: memref<2500x1x128xi32, #tpu.memory_space<hbm>>, %arg5: memref<640x128xf32, #tpu.memory_space<hbm>>, %arg6: memref<2x10000x128xf32, #tpu.memory_space<hbm>>, %arg7: memref<26x1x128xi32, #tpu.memory_space<vmem>>, %arg8: memref<26x1x128xi32, #tpu.memory_space<vmem>>, %arg9: memref<26x1x128xi32, #tpu.memory_space<vmem>>, %arg10: memref<26x1x128xi32, #tpu.memory_space<vmem>>, %arg11: memref<2x1x128xi32, #tpu.memory_space<vmem>>, %arg12: memref<128x128xf32, #tpu.memory_space<vmem>>, %arg13: memref<128x128xf32, #tpu.memory_space<vmem>>, %arg14: memref<10000x128xf32, #tpu.memory_space<vmem_shared>>, %arg15: memref<!tpu.dma_semaphore, #tpu.memory_space<semaphore_mem>>, %arg16: memref<!tpu.dma_semaphore, #tpu.memory_space<semaphore_mem>>, %arg17: memref<!tpu.dma_semaphore, #tpu.memory_space<semaphore_mem>>, %arg18: memref<!tpu.dma_semaphore, #tpu.memory_space<semaphore_mem>>) attributes {dimension_semantics = [#tpu.dimension_semantics<core_parallel>, #tpu.dimension_semantics<subcore_parallel>], iteration_bounds = array<i64: 2, 16>, scalar_prefetch = 0 : i64, scratch_operands = 12 : i64, tpu.core_type = #tpu.core_type<sc_vector_subcore>, window_params = [{transform_indices = #map}, {transform_indices = #map1}, {transform_indices = #map1}, {transform_indices = #map}, {transform_indices = #map1}]} {
    %mul3A = arith.constant 16 : i32
    %mul3A_0 = arith.muli %arg0, %mul3A : i32
    %add3A = arith.addi %mul3A_0, %arg1 : i32
    %mul3A_1 = arith.constant 78 : i32
    %mul3A_2 = arith.muli %add3A, %mul3A_1 : i32
    %dma_start3A = arith.constant 0 : i32
    %dma_start3A_3 = arith.constant 0 : i32
    %dma_start3A_4 = tpu.memref_slice %arg3[%mul3A_2, %dma_start3A, %dma_start3A_3] : memref<2500x1x128xi32, #tpu.memory_space<hbm>> -> memref<26x1x128xi32, #tpu.memory_space<hbm>>
    %dma_start3A_5 = arith.constant 0 : i32
    %dma_start3A_6 = arith.constant 0 : i32
    %dma_start3A_7 = tpu.memref_slice %arg3[%mul3A_2, %dma_start3A_5, %dma_start3A_6] : memref<2500x1x128xi32, #tpu.memory_space<hbm>> -> memref<26x1x128xi32, #tpu.memory_space<hbm>>
    tpu.enqueue_dma source(%dma_start3A_7 : memref<26x1x128xi32, #tpu.memory_space<hbm>>) target(%arg7 : memref<26x1x128xi32, #tpu.memory_space<vmem>>) target_semaphore(%arg15 : memref<!tpu.dma_semaphore, #tpu.memory_space<semaphore_mem>>)
    %dma_start3A_8 = arith.constant 0 : i32
    %dma_start3A_9 = arith.constant 0 : i32
    %dma_start3A_10 = tpu.memref_slice %arg4[%mul3A_2, %dma_start3A_8, %dma_start3A_9] : memref<2500x1x128xi32, #tpu.memory_space<hbm>> -> memref<26x1x128xi32, #tpu.memory_space<hbm>>
    %dma_start3A_11 = arith.constant 0 : i32
    %dma_start3A_12 = arith.constant 0 : i32
    %dma_start3A_13 = tpu.memref_slice %arg4[%mul3A_2, %dma_start3A_11, %dma_start3A_12] : memref<2500x1x128xi32, #tpu.memory_space<hbm>> -> memref<26x1x128xi32, #tpu.memory_space<hbm>>
    tpu.enqueue_dma source(%dma_start3A_13 : memref<26x1x128xi32, #tpu.memory_space<hbm>>) target(%arg9 : memref<26x1x128xi32, #tpu.memory_space<vmem>>) target_semaphore(%arg16 : memref<!tpu.dma_semaphore, #tpu.memory_space<semaphore_mem>>)
    %mul3A_14 = arith.constant 624 : i32
    %mul3A_15 = arith.muli %arg1, %mul3A_14 : i32
    "tpu.region"() ({
      %run_scoped3A = tpu.sem_alloc : memref<!tpu.dma_semaphore, #tpu.memory_space<semaphore_mem>>
      %dma_start3A_136 = arith.constant 0 : i32
      %dma_start3A_137 = tpu.memref_slice %arg14[%mul3A_15, %dma_start3A_136] : memref<10000x128xf32, #tpu.memory_space<vmem_shared>> -> memref<640x128xf32, #tpu.memory_space<vmem_shared>>
      tpu.enqueue_dma source(%arg5 : memref<640x128xf32, #tpu.memory_space<hbm>>) target(%dma_start3A_137 : memref<640x128xf32, #tpu.memory_space<vmem_shared>>) target_semaphore(%run_scoped3A : memref<!tpu.dma_semaphore, #tpu.memory_space<semaphore_mem>>)
      %dma_wait3A_138 = arith.constant 0 : i32
      %dma_wait3A_139 = tpu.memref_slice %arg14[%mul3A_15, %dma_wait3A_138] : memref<10000x128xf32, #tpu.memory_space<vmem_shared>> -> memref<640x128xf32, #tpu.memory_space<vmem_shared>>
      tpu.wait_dma2 semaphore(%run_scoped3A : memref<!tpu.dma_semaphore, #tpu.memory_space<semaphore_mem>>) src(%arg5 : memref<640x128xf32, #tpu.memory_space<hbm>>) dst(%dma_wait3A_139 : memref<640x128xf32, #tpu.memory_space<vmem_shared>>)
      tpu.yield
    }) : () -> ()
    %dma_wait3A = arith.constant 0 : i32
    %dma_wait3A_16 = arith.constant 0 : i32
    %dma_wait3A_17 = tpu.memref_slice %arg3[%mul3A_2, %dma_wait3A, %dma_wait3A_16] : memref<2500x1x128xi32, #tpu.memory_space<hbm>> -> memref<26x1x128xi32, #tpu.memory_space<hbm>>
    %dma_wait3A_18 = arith.constant 0 : i32
    %dma_wait3A_19 = arith.constant 0 : i32
    %dma_wait3A_20 = tpu.memref_slice %arg3[%mul3A_2, %dma_wait3A_18, %dma_wait3A_19] : memref<2500x1x128xi32, #tpu.memory_space<hbm>> -> memref<26x1x128xi32, #tpu.memory_space<hbm>>
    tpu.wait_dma2 semaphore(%arg15 : memref<!tpu.dma_semaphore, #tpu.memory_space<semaphore_mem>>) src(%dma_wait3A_20 : memref<26x1x128xi32, #tpu.memory_space<hbm>>) dst(%arg7 : memref<26x1x128xi32, #tpu.memory_space<vmem>>)
    %dma_wait3A_21 = arith.constant 0 : i32
    %dma_wait3A_22 = arith.constant 0 : i32
    %dma_wait3A_23 = tpu.memref_slice %arg4[%mul3A_2, %dma_wait3A_21, %dma_wait3A_22] : memref<2500x1x128xi32, #tpu.memory_space<hbm>> -> memref<26x1x128xi32, #tpu.memory_space<hbm>>
    %dma_wait3A_24 = arith.constant 0 : i32
    %dma_wait3A_25 = arith.constant 0 : i32
    %dma_wait3A_26 = tpu.memref_slice %arg4[%mul3A_2, %dma_wait3A_24, %dma_wait3A_25] : memref<2500x1x128xi32, #tpu.memory_space<hbm>> -> memref<26x1x128xi32, #tpu.memory_space<hbm>>
    tpu.wait_dma2 semaphore(%arg16 : memref<!tpu.dma_semaphore, #tpu.memory_space<semaphore_mem>>) src(%dma_wait3A_26 : memref<26x1x128xi32, #tpu.memory_space<hbm>>) dst(%arg9 : memref<26x1x128xi32, #tpu.memory_space<vmem>>)
    %dma_start3A_27 = arith.constant 0 : i32
    %dma_start3A_28 = arith.constant 0 : i32
    %dma_start3A_29 = arith.constant 0 : i32
    %dma_start3A_30 = arith.constant 0 : i32
    %dma_start3A_31 = tpu.memref_slice %arg7[%dma_start3A_27, %dma_start3A_29, %dma_start3A_30] : memref<26x1x128xi32, #tpu.memory_space<vmem>> -> memref<1x1x128xi32, #tpu.memory_space<vmem>>
    %dma_start3A_32 = tpu.memref_squeeze %dma_start3A_31 : memref<1x1x128xi32, #tpu.memory_space<vmem>> -> memref<1x128xi32, #tpu.memory_space<vmem>>
    %dma_start3A_33 = arith.constant 0 : i32
    %dma_start3A_34 = tpu.memref_slice %dma_start3A_32[%dma_start3A_28, %dma_start3A_33] : memref<1x128xi32, #tpu.memory_space<vmem>> -> memref<1x128xi32, #tpu.memory_space<vmem>>
    %dma_start3A_35 = tpu.memref_squeeze %dma_start3A_34 : memref<1x128xi32, #tpu.memory_space<vmem>> -> memref<128xi32, #tpu.memory_space<vmem>>
    %dma_start3A_36 = arith.constant 0 : i32
    %dma_start3A_37 = arith.constant 0 : i32
    %dma_start3A_38 = tpu.memref_slice %arg2[%dma_start3A_36, %dma_start3A_37] : memref<10000x128xf32, #tpu.memory_space<hbm>> -> memref<10000x128xf32, #tpu.memory_space<hbm>>
    tpu.enqueue_indirect_dma source(%dma_start3A_38 : memref<10000x128xf32, #tpu.memory_space<hbm>>) target(%arg12 : memref<128x128xf32, #tpu.memory_space<vmem>>) offsets(%dma_start3A_35 : memref<128xi32, #tpu.memory_space<vmem>>) semaphore(%arg17 : memref<!tpu.dma_semaphore, #tpu.memory_space<semaphore_mem>>)
    %barrier3A = arith.constant 0 : index
    tpu.barrier barrier_id(%barrier3A)
    %add3A_39 = arith.constant 26 : i32
    %add3A_40 = arith.addi %mul3A_2, %add3A_39 : i32
    %dma_start3A_41 = arith.constant 0 : i32
    %dma_start3A_42 = arith.constant 0 : i32
    %dma_start3A_43 = tpu.memref_slice %arg3[%add3A_40, %dma_start3A_41, %dma_start3A_42] : memref<2500x1x128xi32, #tpu.memory_space<hbm>> -> memref<26x1x128xi32, #tpu.memory_space<hbm>>
    %dma_start3A_44 = arith.constant 0 : i32
    %dma_start3A_45 = arith.constant 0 : i32
    %dma_start3A_46 = tpu.memref_slice %arg3[%add3A_40, %dma_start3A_44, %dma_start3A_45] : memref<2500x1x128xi32, #tpu.memory_space<hbm>> -> memref<26x1x128xi32, #tpu.memory_space<hbm>>
    tpu.enqueue_dma source(%dma_start3A_46 : memref<26x1x128xi32, #tpu.memory_space<hbm>>) target(%arg8 : memref<26x1x128xi32, #tpu.memory_space<vmem>>) target_semaphore(%arg15 : memref<!tpu.dma_semaphore, #tpu.memory_space<semaphore_mem>>)
    %dma_start3A_47 = arith.constant 0 : i32
    %dma_start3A_48 = arith.constant 0 : i32
    %dma_start3A_49 = tpu.memref_slice %arg4[%add3A_40, %dma_start3A_47, %dma_start3A_48] : memref<2500x1x128xi32, #tpu.memory_space<hbm>> -> memref<26x1x128xi32, #tpu.memory_space<hbm>>
    %dma_start3A_50 = arith.constant 0 : i32
    %dma_start3A_51 = arith.constant 0 : i32
    %dma_start3A_52 = tpu.memref_slice %arg4[%add3A_40, %dma_start3A_50, %dma_start3A_51] : memref<2500x1x128xi32, #tpu.memory_space<hbm>> -> memref<26x1x128xi32, #tpu.memory_space<hbm>>
    tpu.enqueue_dma source(%dma_start3A_52 : memref<26x1x128xi32, #tpu.memory_space<hbm>>) target(%arg10 : memref<26x1x128xi32, #tpu.memory_space<vmem>>) target_semaphore(%arg16 : memref<!tpu.dma_semaphore, #tpu.memory_space<semaphore_mem>>)
    %scan3A = arith.constant 0 : i32
    %scan3A_53 = arith.constant 13 : i32
    %scan3A_54 = arith.addi %scan3A, %scan3A_53 : i32
    %scan3A_55 = arith.constant 1 : i32
    scf.for %scan3A_136 = %scan3A to %scan3A_54 step %scan3A_55  : i32 {
      %mul3A_137 = arith.constant 1 : i32
      %mul3A_138 = arith.muli %scan3A_136, %mul3A_137 : i32
      %add3A_139 = arith.constant 0 : i32
      %add3A_140 = arith.addi %add3A_139, %mul3A_138 : i32
      %mul3A_141 = arith.constant 2 : i32
      %mul3A_142 = arith.muli %mul3A_141, %add3A_140 : i32
      %add3A_143 = arith.constant 1 : i32
      %add3A_144 = arith.addi %mul3A_142, %add3A_143 : i32
      %dma_start3A_145 = arith.constant 0 : i32
      %dma_start3A_146 = arith.constant 0 : i32
      %dma_start3A_147 = arith.constant 0 : i32
      %dma_start3A_148 = tpu.memref_slice %arg7[%add3A_144, %dma_start3A_146, %dma_start3A_147] : memref<26x1x128xi32, #tpu.memory_space<vmem>> -> memref<1x1x128xi32, #tpu.memory_space<vmem>>
      %dma_start3A_149 = tpu.memref_squeeze %dma_start3A_148 : memref<1x1x128xi32, #tpu.memory_space<vmem>> -> memref<1x128xi32, #tpu.memory_space<vmem>>
      %dma_start3A_150 = arith.constant 0 : i32
      %dma_start3A_151 = tpu.memref_slice %dma_start3A_149[%dma_start3A_145, %dma_start3A_150] : memref<1x128xi32, #tpu.memory_space<vmem>> -> memref<1x128xi32, #tpu.memory_space<vmem>>
      %dma_start3A_152 = tpu.memref_squeeze %dma_start3A_151 : memref<1x128xi32, #tpu.memory_space<vmem>> -> memref<128xi32, #tpu.memory_space<vmem>>
      %dma_start3A_153 = arith.constant 0 : i32
      %dma_start3A_154 = arith.constant 0 : i32
      %dma_start3A_155 = tpu.memref_slice %arg2[%dma_start3A_153, %dma_start3A_154] : memref<10000x128xf32, #tpu.memory_space<hbm>> -> memref<10000x128xf32, #tpu.memory_space<hbm>>
      tpu.enqueue_indirect_dma source(%dma_start3A_155 : memref<10000x128xf32, #tpu.memory_space<hbm>>) target(%arg13 : memref<128x128xf32, #tpu.memory_space<vmem>>) offsets(%dma_start3A_152 : memref<128xi32, #tpu.memory_space<vmem>>) semaphore(%arg18 : memref<!tpu.dma_semaphore, #tpu.memory_space<semaphore_mem>>)
      %dma_wait3A_156 = arith.constant 0 : i32
      %dma_wait3A_157 = arith.constant 0 : i32
      %dma_wait3A_158 = arith.constant 0 : i32
      %dma_wait3A_159 = tpu.memref_slice %arg7[%mul3A_142, %dma_wait3A_157, %dma_wait3A_158] : memref<26x1x128xi32, #tpu.memory_space<vmem>> -> memref<1x1x128xi32, #tpu.memory_space<vmem>>
      %dma_wait3A_160 = tpu.memref_squeeze %dma_wait3A_159 : memref<1x1x128xi32, #tpu.memory_space<vmem>> -> memref<1x128xi32, #tpu.memory_space<vmem>>
      %dma_wait3A_161 = arith.constant 0 : i32
      %dma_wait3A_162 = tpu.memref_slice %dma_wait3A_160[%dma_wait3A_156, %dma_wait3A_161] : memref<1x128xi32, #tpu.memory_space<vmem>> -> memref<1x128xi32, #tpu.memory_space<vmem>>
      %dma_wait3A_163 = tpu.memref_squeeze %dma_wait3A_162 : memref<1x128xi32, #tpu.memory_space<vmem>> -> memref<128xi32, #tpu.memory_space<vmem>>
      %dma_wait3A_164 = arith.constant 0 : i32
      %dma_wait3A_165 = arith.constant 0 : i32
      %dma_wait3A_166 = tpu.memref_slice %arg2[%dma_wait3A_164, %dma_wait3A_165] : memref<10000x128xf32, #tpu.memory_space<hbm>> -> memref<10000x128xf32, #tpu.memory_space<hbm>>
      tpu.wait_indirect_dma semaphore(%arg17 : memref<!tpu.dma_semaphore, #tpu.memory_space<semaphore_mem>>) src(%dma_wait3A_166 : memref<10000x128xf32, #tpu.memory_space<hbm>>) dst(%arg12 : memref<128x128xf32, #tpu.memory_space<vmem>>)
      %run_scoped3A = arith.constant 0 : i32
      "tpu.region"() ({
        %run_scoped3A_184 = tpu.sem_alloc : memref<!tpu.dma_semaphore, #tpu.memory_space<semaphore_mem>>
        %dma_start3A_185 = arith.constant 0 : i32
        %dma_start3A_186 = arith.constant 0 : i32
        %dma_start3A_187 = tpu.memref_slice %arg9[%mul3A_142, %dma_start3A_185, %dma_start3A_186] : memref<26x1x128xi32, #tpu.memory_space<vmem>> -> memref<1x1x128xi32, #tpu.memory_space<vmem>>
        %dma_start3A_188 = tpu.memref_squeeze %dma_start3A_187 : memref<1x1x128xi32, #tpu.memory_space<vmem>> -> memref<1x128xi32, #tpu.memory_space<vmem>>
        %dma_start3A_189 = arith.constant 0 : i32
        %dma_start3A_190 = tpu.memref_slice %dma_start3A_188[%run_scoped3A, %dma_start3A_189] : memref<1x128xi32, #tpu.memory_space<vmem>> -> memref<1x128xi32, #tpu.memory_space<vmem>>
        %dma_start3A_191 = tpu.memref_squeeze %dma_start3A_190 : memref<1x128xi32, #tpu.memory_space<vmem>> -> memref<128xi32, #tpu.memory_space<vmem>>
        %dma_start3A_192 = arith.constant 0 : i32
        %dma_start3A_193 = arith.constant 0 : i32
        %dma_start3A_194 = tpu.memref_slice %arg14[%dma_start3A_192, %dma_start3A_193] : memref<10000x128xf32, #tpu.memory_space<vmem_shared>> -> memref<10000x128xf32, #tpu.memory_space<vmem_shared>>
        tpu.enqueue_indirect_dma source(%arg12 : memref<128x128xf32, #tpu.memory_space<vmem>>) target(%dma_start3A_194 : memref<10000x128xf32, #tpu.memory_space<vmem_shared>>) offsets(%dma_start3A_191 : memref<128xi32, #tpu.memory_space<vmem>>) semaphore(%run_scoped3A_184 : memref<!tpu.dma_semaphore, #tpu.memory_space<semaphore_mem>>) {add = true}
        %dma_wait3A_195 = arith.constant 0 : i32
        %dma_wait3A_196 = arith.constant 0 : i32
        %dma_wait3A_197 = tpu.memref_slice %arg9[%mul3A_142, %dma_wait3A_195, %dma_wait3A_196] : memref<26x1x128xi32, #tpu.memory_space<vmem>> -> memref<1x1x128xi32, #tpu.memory_space<vmem>>
        %dma_wait3A_198 = tpu.memref_squeeze %dma_wait3A_197 : memref<1x1x128xi32, #tpu.memory_space<vmem>> -> memref<1x128xi32, #tpu.memory_space<vmem>>
        %dma_wait3A_199 = arith.constant 0 : i32
        %dma_wait3A_200 = tpu.memref_slice %dma_wait3A_198[%run_scoped3A, %dma_wait3A_199] : memref<1x128xi32, #tpu.memory_space<vmem>> -> memref<1x128xi32, #tpu.memory_space<vmem>>
        %dma_wait3A_201 = tpu.memref_squeeze %dma_wait3A_200 : memref<1x128xi32, #tpu.memory_space<vmem>> -> memref<128xi32, #tpu.memory_space<vmem>>
        %dma_wait3A_202 = arith.constant 0 : i32
        %dma_wait3A_203 = arith.constant 0 : i32
        %dma_wait3A_204 = tpu.memref_slice %arg14[%dma_wait3A_202, %dma_wait3A_203] : memref<10000x128xf32, #tpu.memory_space<vmem_shared>> -> memref<10000x128xf32, #tpu.memory_space<vmem_shared>>
        tpu.wait_indirect_dma semaphore(%run_scoped3A_184 : memref<!tpu.dma_semaphore, #tpu.memory_space<semaphore_mem>>) src(%arg12 : memref<128x128xf32, #tpu.memory_space<vmem>>) dst(%dma_wait3A_204 : memref<10000x128xf32, #tpu.memory_space<vmem_shared>>)
        tpu.yield
      }) : () -> ()
      %lt3A_167 = arith.constant 12 : i32
      %lt3A_168 = arith.cmpi slt, %add3A_140, %lt3A_167 : i32
      %convert_element_type3A_169 = arith.extui %lt3A_168 : i1 to i32
      %cond3A_170 = arith.constant 0 : i32
      %cond3A_171 = arith.cmpi ne, %convert_element_type3A_169, %cond3A_170 : i32
      scf.if %cond3A_171 {
        %add3A_184 = arith.constant 2 : i32
        %add3A_185 = arith.addi %mul3A_142, %add3A_184 : i32
        %dma_start3A_186 = arith.constant 0 : i32
        %dma_start3A_187 = arith.constant 0 : i32
        %dma_start3A_188 = arith.constant 0 : i32
        %dma_start3A_189 = tpu.memref_slice %arg7[%add3A_185, %dma_start3A_187, %dma_start3A_188] : memref<26x1x128xi32, #tpu.memory_space<vmem>> -> memref<1x1x128xi32, #tpu.memory_space<vmem>>
        %dma_start3A_190 = tpu.memref_squeeze %dma_start3A_189 : memref<1x1x128xi32, #tpu.memory_space<vmem>> -> memref<1x128xi32, #tpu.memory_space<vmem>>
        %dma_start3A_191 = arith.constant 0 : i32
        %dma_start3A_192 = tpu.memref_slice %dma_start3A_190[%dma_start3A_186, %dma_start3A_191] : memref<1x128xi32, #tpu.memory_space<vmem>> -> memref<1x128xi32, #tpu.memory_space<vmem>>
        %dma_start3A_193 = tpu.memref_squeeze %dma_start3A_192 : memref<1x128xi32, #tpu.memory_space<vmem>> -> memref<128xi32, #tpu.memory_space<vmem>>
        %dma_start3A_194 = arith.constant 0 : i32
        %dma_start3A_195 = arith.constant 0 : i32
        %dma_start3A_196 = tpu.memref_slice %arg2[%dma_start3A_194, %dma_start3A_195] : memref<10000x128xf32, #tpu.memory_space<hbm>> -> memref<10000x128xf32, #tpu.memory_space<hbm>>
        tpu.enqueue_indirect_dma source(%dma_start3A_196 : memref<10000x128xf32, #tpu.memory_space<hbm>>) target(%arg12 : memref<128x128xf32, #tpu.memory_space<vmem>>) offsets(%dma_start3A_193 : memref<128xi32, #tpu.memory_space<vmem>>) semaphore(%arg17 : memref<!tpu.dma_semaphore, #tpu.memory_space<semaphore_mem>>)
      } else {
      }
      %dma_wait3A_172 = arith.constant 0 : i32
      %dma_wait3A_173 = arith.constant 0 : i32
      %dma_wait3A_174 = arith.constant 0 : i32
      %dma_wait3A_175 = tpu.memref_slice %arg7[%add3A_144, %dma_wait3A_173, %dma_wait3A_174] : memref<26x1x128xi32, #tpu.memory_space<vmem>> -> memref<1x1x128xi32, #tpu.memory_space<vmem>>
      %dma_wait3A_176 = tpu.memref_squeeze %dma_wait3A_175 : memref<1x1x128xi32, #tpu.memory_space<vmem>> -> memref<1x128xi32, #tpu.memory_space<vmem>>
      %dma_wait3A_177 = arith.constant 0 : i32
      %dma_wait3A_178 = tpu.memref_slice %dma_wait3A_176[%dma_wait3A_172, %dma_wait3A_177] : memref<1x128xi32, #tpu.memory_space<vmem>> -> memref<1x128xi32, #tpu.memory_space<vmem>>
      %dma_wait3A_179 = tpu.memref_squeeze %dma_wait3A_178 : memref<1x128xi32, #tpu.memory_space<vmem>> -> memref<128xi32, #tpu.memory_space<vmem>>
      %dma_wait3A_180 = arith.constant 0 : i32
      %dma_wait3A_181 = arith.constant 0 : i32
      %dma_wait3A_182 = tpu.memref_slice %arg2[%dma_wait3A_180, %dma_wait3A_181] : memref<10000x128xf32, #tpu.memory_space<hbm>> -> memref<10000x128xf32, #tpu.memory_space<hbm>>
      tpu.wait_indirect_dma semaphore(%arg18 : memref<!tpu.dma_semaphore, #tpu.memory_space<semaphore_mem>>) src(%dma_wait3A_182 : memref<10000x128xf32, #tpu.memory_space<hbm>>) dst(%arg13 : memref<128x128xf32, #tpu.memory_space<vmem>>)
      %run_scoped3A_183 = arith.constant 0 : i32
      "tpu.region"() ({
        %run_scoped3A_184 = tpu.sem_alloc : memref<!tpu.dma_semaphore, #tpu.memory_space<semaphore_mem>>
        %dma_start3A_185 = arith.constant 0 : i32
        %dma_start3A_186 = arith.constant 0 : i32
        %dma_start3A_187 = tpu.memref_slice %arg9[%add3A_144, %dma_start3A_185, %dma_start3A_186] : memref<26x1x128xi32, #tpu.memory_space<vmem>> -> memref<1x1x128xi32, #tpu.memory_space<vmem>>
        %dma_start3A_188 = tpu.memref_squeeze %dma_start3A_187 : memref<1x1x128xi32, #tpu.memory_space<vmem>> -> memref<1x128xi32, #tpu.memory_space<vmem>>
        %dma_start3A_189 = arith.constant 0 : i32
        %dma_start3A_190 = tpu.memref_slice %dma_start3A_188[%run_scoped3A_183, %dma_start3A_189] : memref<1x128xi32, #tpu.memory_space<vmem>> -> memref<1x128xi32, #tpu.memory_space<vmem>>
        %dma_start3A_191 = tpu.memref_squeeze %dma_start3A_190 : memref<1x128xi32, #tpu.memory_space<vmem>> -> memref<128xi32, #tpu.memory_space<vmem>>
        %dma_start3A_192 = arith.constant 0 : i32
        %dma_start3A_193 = arith.constant 0 : i32
        %dma_start3A_194 = tpu.memref_slice %arg14[%dma_start3A_192, %dma_start3A_193] : memref<10000x128xf32, #tpu.memory_space<vmem_shared>> -> memref<10000x128xf32, #tpu.memory_space<vmem_shared>>
        tpu.enqueue_indirect_dma source(%arg13 : memref<128x128xf32, #tpu.memory_space<vmem>>) target(%dma_start3A_194 : memref<10000x128xf32, #tpu.memory_space<vmem_shared>>) offsets(%dma_start3A_191 : memref<128xi32, #tpu.memory_space<vmem>>) semaphore(%run_scoped3A_184 : memref<!tpu.dma_semaphore, #tpu.memory_space<semaphore_mem>>) {add = true}
        %dma_wait3A_195 = arith.constant 0 : i32
        %dma_wait3A_196 = arith.constant 0 : i32
        %dma_wait3A_197 = tpu.memref_slice %arg9[%add3A_144, %dma_wait3A_195, %dma_wait3A_196] : memref<26x1x128xi32, #tpu.memory_space<vmem>> -> memref<1x1x128xi32, #tpu.memory_space<vmem>>
        %dma_wait3A_198 = tpu.memref_squeeze %dma_wait3A_197 : memref<1x1x128xi32, #tpu.memory_space<vmem>> -> memref<1x128xi32, #tpu.memory_space<vmem>>
        %dma_wait3A_199 = arith.constant 0 : i32
        %dma_wait3A_200 = tpu.memref_slice %dma_wait3A_198[%run_scoped3A_183, %dma_wait3A_199] : memref<1x128xi32, #tpu.memory_space<vmem>> -> memref<1x128xi32, #tpu.memory_space<vmem>>
        %dma_wait3A_201 = tpu.memref_squeeze %dma_wait3A_200 : memref<1x128xi32, #tpu.memory_space<vmem>> -> memref<128xi32, #tpu.memory_space<vmem>>
        %dma_wait3A_202 = arith.constant 0 : i32
        %dma_wait3A_203 = arith.constant 0 : i32
        %dma_wait3A_204 = tpu.memref_slice %arg14[%dma_wait3A_202, %dma_wait3A_203] : memref<10000x128xf32, #tpu.memory_space<vmem_shared>> -> memref<10000x128xf32, #tpu.memory_space<vmem_shared>>
        tpu.wait_indirect_dma semaphore(%run_scoped3A_184 : memref<!tpu.dma_semaphore, #tpu.memory_space<semaphore_mem>>) src(%arg13 : memref<128x128xf32, #tpu.memory_space<vmem>>) dst(%dma_wait3A_204 : memref<10000x128xf32, #tpu.memory_space<vmem_shared>>)
        tpu.yield
      }) : () -> ()
    }
    %scan3A_56 = arith.constant 13 : i32
    %dma_wait3A_57 = arith.constant 0 : i32
    %dma_wait3A_58 = arith.constant 0 : i32
    %dma_wait3A_59 = tpu.memref_slice %arg3[%add3A_40, %dma_wait3A_57, %dma_wait3A_58] : memref<2500x1x128xi32, #tpu.memory_space<hbm>> -> memref<26x1x128xi32, #tpu.memory_space<hbm>>
    %dma_wait3A_60 = arith.constant 0 : i32
    %dma_wait3A_61 = arith.constant 0 : i32
    %dma_wait3A_62 = tpu.memref_slice %arg3[%add3A_40, %dma_wait3A_60, %dma_wait3A_61] : memref<2500x1x128xi32, #tpu.memory_space<hbm>> -> memref<26x1x128xi32, #tpu.memory_space<hbm>>
    tpu.wait_dma2 semaphore(%arg15 : memref<!tpu.dma_semaphore, #tpu.memory_space<semaphore_mem>>) src(%dma_wait3A_62 : memref<26x1x128xi32, #tpu.memory_space<hbm>>) dst(%arg8 : memref<26x1x128xi32, #tpu.memory_space<vmem>>)
    %dma_wait3A_63 = arith.constant 0 : i32
    %dma_wait3A_64 = arith.constant 0 : i32
    %dma_wait3A_65 = tpu.memref_slice %arg4[%add3A_40, %dma_wait3A_63, %dma_wait3A_64] : memref<2500x1x128xi32, #tpu.memory_space<hbm>> -> memref<26x1x128xi32, #tpu.memory_space<hbm>>
    %dma_wait3A_66 = arith.constant 0 : i32
    %dma_wait3A_67 = arith.constant 0 : i32
    %dma_wait3A_68 = tpu.memref_slice %arg4[%add3A_40, %dma_wait3A_66, %dma_wait3A_67] : memref<2500x1x128xi32, #tpu.memory_space<hbm>> -> memref<26x1x128xi32, #tpu.memory_space<hbm>>
    tpu.wait_dma2 semaphore(%arg16 : memref<!tpu.dma_semaphore, #tpu.memory_space<semaphore_mem>>) src(%dma_wait3A_68 : memref<26x1x128xi32, #tpu.memory_space<hbm>>) dst(%arg10 : memref<26x1x128xi32, #tpu.memory_space<vmem>>)
    %add3A_69 = arith.constant 52 : i32
    %add3A_70 = arith.addi %mul3A_2, %add3A_69 : i32
    %dma_start3A_71 = arith.constant 0 : i32
    %dma_start3A_72 = arith.constant 0 : i32
    %dma_start3A_73 = tpu.memref_slice %arg3[%add3A_70, %dma_start3A_71, %dma_start3A_72] : memref<2500x1x128xi32, #tpu.memory_space<hbm>> -> memref<26x1x128xi32, #tpu.memory_space<hbm>>
    %dma_start3A_74 = arith.constant 0 : i32
    %dma_start3A_75 = arith.constant 0 : i32
    %dma_start3A_76 = tpu.memref_slice %arg3[%add3A_70, %dma_start3A_74, %dma_start3A_75] : memref<2500x1x128xi32, #tpu.memory_space<hbm>> -> memref<26x1x128xi32, #tpu.memory_space<hbm>>
    tpu.enqueue_dma source(%dma_start3A_76 : memref<26x1x128xi32, #tpu.memory_space<hbm>>) target(%arg7 : memref<26x1x128xi32, #tpu.memory_space<vmem>>) target_semaphore(%arg15 : memref<!tpu.dma_semaphore, #tpu.memory_space<semaphore_mem>>)
    %dma_start3A_77 = arith.constant 0 : i32
    %dma_start3A_78 = arith.constant 0 : i32
    %dma_start3A_79 = tpu.memref_slice %arg4[%add3A_70, %dma_start3A_77, %dma_start3A_78] : memref<2500x1x128xi32, #tpu.memory_space<hbm>> -> memref<26x1x128xi32, #tpu.memory_space<hbm>>
    %dma_start3A_80 = arith.constant 0 : i32
    %dma_start3A_81 = arith.constant 0 : i32
    %dma_start3A_82 = tpu.memref_slice %arg4[%add3A_70, %dma_start3A_80, %dma_start3A_81] : memref<2500x1x128xi32, #tpu.memory_space<hbm>> -> memref<26x1x128xi32, #tpu.memory_space<hbm>>
    tpu.enqueue_dma source(%dma_start3A_82 : memref<26x1x128xi32, #tpu.memory_space<hbm>>) target(%arg9 : memref<26x1x128xi32, #tpu.memory_space<vmem>>) target_semaphore(%arg16 : memref<!tpu.dma_semaphore, #tpu.memory_space<semaphore_mem>>)
    %dma_start3A_83 = arith.constant 0 : i32
    %dma_start3A_84 = arith.constant 0 : i32
    %dma_start3A_85 = arith.constant 0 : i32
    %dma_start3A_86 = arith.constant 0 : i32
    %dma_start3A_87 = tpu.memref_slice %arg8[%dma_start3A_83, %dma_start3A_85, %dma_start3A_86] : memref<26x1x128xi32, #tpu.memory_space<vmem>> -> memref<1x1x128xi32, #tpu.memory_space<vmem>>
    %dma_start3A_88 = tpu.memref_squeeze %dma_start3A_87 : memref<1x1x128xi32, #tpu.memory_space<vmem>> -> memref<1x128xi32, #tpu.memory_space<vmem>>
    %dma_start3A_89 = arith.constant 0 : i32
    %dma_start3A_90 = tpu.memref_slice %dma_start3A_88[%dma_start3A_84, %dma_start3A_89] : memref<1x128xi32, #tpu.memory_space<vmem>> -> memref<1x128xi32, #tpu.memory_space<vmem>>
    %dma_start3A_91 = tpu.memref_squeeze %dma_start3A_90 : memref<1x128xi32, #tpu.memory_space<vmem>> -> memref<128xi32, #tpu.memory_space<vmem>>
    %dma_start3A_92 = arith.constant 0 : i32
    %dma_start3A_93 = arith.constant 0 : i32
    %dma_start3A_94 = tpu.memref_slice %arg2[%dma_start3A_92, %dma_start3A_93] : memref<10000x128xf32, #tpu.memory_space<hbm>> -> memref<10000x128xf32, #tpu.memory_space<hbm>>
    tpu.enqueue_indirect_dma source(%dma_start3A_94 : memref<10000x128xf32, #tpu.memory_space<hbm>>) target(%arg12 : memref<128x128xf32, #tpu.memory_space<vmem>>) offsets(%dma_start3A_91 : memref<128xi32, #tpu.memory_space<vmem>>) semaphore(%arg17 : memref<!tpu.dma_semaphore, #tpu.memory_space<semaphore_mem>>)
    %scan3A_95 = arith.constant 0 : i32
    %scan3A_96 = arith.constant 13 : i32
    %scan3A_97 = arith.addi %scan3A_95, %scan3A_96 : i32
    %scan3A_98 = arith.constant 1 : i32
    scf.for %scan3A_136 = %scan3A_95 to %scan3A_97 step %scan3A_98  : i32 {
      %mul3A_137 = arith.constant 1 : i32
      %mul3A_138 = arith.muli %scan3A_136, %mul3A_137 : i32
      %add3A_139 = arith.constant 0 : i32
      %add3A_140 = arith.addi %add3A_139, %mul3A_138 : i32
      %mul3A_141 = arith.constant 2 : i32
      %mul3A_142 = arith.muli %mul3A_141, %add3A_140 : i32
      %add3A_143 = arith.constant 1 : i32
      %add3A_144 = arith.addi %mul3A_142, %add3A_143 : i32
      %dma_start3A_145 = arith.constant 0 : i32
      %dma_start3A_146 = arith.constant 0 : i32
      %dma_start3A_147 = arith.constant 0 : i32
      %dma_start3A_148 = tpu.memref_slice %arg8[%add3A_144, %dma_start3A_146, %dma_start3A_147] : memref<26x1x128xi32, #tpu.memory_space<vmem>> -> memref<1x1x128xi32, #tpu.memory_space<vmem>>
      %dma_start3A_149 = tpu.memref_squeeze %dma_start3A_148 : memref<1x1x128xi32, #tpu.memory_space<vmem>> -> memref<1x128xi32, #tpu.memory_space<vmem>>
      %dma_start3A_150 = arith.constant 0 : i32
      %dma_start3A_151 = tpu.memref_slice %dma_start3A_149[%dma_start3A_145, %dma_start3A_150] : memref<1x128xi32, #tpu.memory_space<vmem>> -> memref<1x128xi32, #tpu.memory_space<vmem>>
      %dma_start3A_152 = tpu.memref_squeeze %dma_start3A_151 : memref<1x128xi32, #tpu.memory_space<vmem>> -> memref<128xi32, #tpu.memory_space<vmem>>
      %dma_start3A_153 = arith.constant 0 : i32
      %dma_start3A_154 = arith.constant 0 : i32
      %dma_start3A_155 = tpu.memref_slice %arg2[%dma_start3A_153, %dma_start3A_154] : memref<10000x128xf32, #tpu.memory_space<hbm>> -> memref<10000x128xf32, #tpu.memory_space<hbm>>
      tpu.enqueue_indirect_dma source(%dma_start3A_155 : memref<10000x128xf32, #tpu.memory_space<hbm>>) target(%arg13 : memref<128x128xf32, #tpu.memory_space<vmem>>) offsets(%dma_start3A_152 : memref<128xi32, #tpu.memory_space<vmem>>) semaphore(%arg18 : memref<!tpu.dma_semaphore, #tpu.memory_space<semaphore_mem>>)
      %dma_wait3A_156 = arith.constant 0 : i32
      %dma_wait3A_157 = arith.constant 0 : i32
      %dma_wait3A_158 = arith.constant 0 : i32
      %dma_wait3A_159 = tpu.memref_slice %arg8[%mul3A_142, %dma_wait3A_157, %dma_wait3A_158] : memref<26x1x128xi32, #tpu.memory_space<vmem>> -> memref<1x1x128xi32, #tpu.memory_space<vmem>>
      %dma_wait3A_160 = tpu.memref_squeeze %dma_wait3A_159 : memref<1x1x128xi32, #tpu.memory_space<vmem>> -> memref<1x128xi32, #tpu.memory_space<vmem>>
      %dma_wait3A_161 = arith.constant 0 : i32
      %dma_wait3A_162 = tpu.memref_slice %dma_wait3A_160[%dma_wait3A_156, %dma_wait3A_161] : memref<1x128xi32, #tpu.memory_space<vmem>> -> memref<1x128xi32, #tpu.memory_space<vmem>>
      %dma_wait3A_163 = tpu.memref_squeeze %dma_wait3A_162 : memref<1x128xi32, #tpu.memory_space<vmem>> -> memref<128xi32, #tpu.memory_space<vmem>>
      %dma_wait3A_164 = arith.constant 0 : i32
      %dma_wait3A_165 = arith.constant 0 : i32
      %dma_wait3A_166 = tpu.memref_slice %arg2[%dma_wait3A_164, %dma_wait3A_165] : memref<10000x128xf32, #tpu.memory_space<hbm>> -> memref<10000x128xf32, #tpu.memory_space<hbm>>
      tpu.wait_indirect_dma semaphore(%arg17 : memref<!tpu.dma_semaphore, #tpu.memory_space<semaphore_mem>>) src(%dma_wait3A_166 : memref<10000x128xf32, #tpu.memory_space<hbm>>) dst(%arg12 : memref<128x128xf32, #tpu.memory_space<vmem>>)
      %run_scoped3A = arith.constant 0 : i32
      "tpu.region"() ({
        %run_scoped3A_184 = tpu.sem_alloc : memref<!tpu.dma_semaphore, #tpu.memory_space<semaphore_mem>>
        %dma_start3A_185 = arith.constant 0 : i32
        %dma_start3A_186 = arith.constant 0 : i32
        %dma_start3A_187 = tpu.memref_slice %arg10[%mul3A_142, %dma_start3A_185, %dma_start3A_186] : memref<26x1x128xi32, #tpu.memory_space<vmem>> -> memref<1x1x128xi32, #tpu.memory_space<vmem>>
        %dma_start3A_188 = tpu.memref_squeeze %dma_start3A_187 : memref<1x1x128xi32, #tpu.memory_space<vmem>> -> memref<1x128xi32, #tpu.memory_space<vmem>>
        %dma_start3A_189 = arith.constant 0 : i32
        %dma_start3A_190 = tpu.memref_slice %dma_start3A_188[%run_scoped3A, %dma_start3A_189] : memref<1x128xi32, #tpu.memory_space<vmem>> -> memref<1x128xi32, #tpu.memory_space<vmem>>
        %dma_start3A_191 = tpu.memref_squeeze %dma_start3A_190 : memref<1x128xi32, #tpu.memory_space<vmem>> -> memref<128xi32, #tpu.memory_space<vmem>>
        %dma_start3A_192 = arith.constant 0 : i32
        %dma_start3A_193 = arith.constant 0 : i32
        %dma_start3A_194 = tpu.memref_slice %arg14[%dma_start3A_192, %dma_start3A_193] : memref<10000x128xf32, #tpu.memory_space<vmem_shared>> -> memref<10000x128xf32, #tpu.memory_space<vmem_shared>>
        tpu.enqueue_indirect_dma source(%arg12 : memref<128x128xf32, #tpu.memory_space<vmem>>) target(%dma_start3A_194 : memref<10000x128xf32, #tpu.memory_space<vmem_shared>>) offsets(%dma_start3A_191 : memref<128xi32, #tpu.memory_space<vmem>>) semaphore(%run_scoped3A_184 : memref<!tpu.dma_semaphore, #tpu.memory_space<semaphore_mem>>) {add = true}
        %dma_wait3A_195 = arith.constant 0 : i32
        %dma_wait3A_196 = arith.constant 0 : i32
        %dma_wait3A_197 = tpu.memref_slice %arg10[%mul3A_142, %dma_wait3A_195, %dma_wait3A_196] : memref<26x1x128xi32, #tpu.memory_space<vmem>> -> memref<1x1x128xi32, #tpu.memory_space<vmem>>
        %dma_wait3A_198 = tpu.memref_squeeze %dma_wait3A_197 : memref<1x1x128xi32, #tpu.memory_space<vmem>> -> memref<1x128xi32, #tpu.memory_space<vmem>>
        %dma_wait3A_199 = arith.constant 0 : i32
        %dma_wait3A_200 = tpu.memref_slice %dma_wait3A_198[%run_scoped3A, %dma_wait3A_199] : memref<1x128xi32, #tpu.memory_space<vmem>> -> memref<1x128xi32, #tpu.memory_space<vmem>>
        %dma_wait3A_201 = tpu.memref_squeeze %dma_wait3A_200 : memref<1x128xi32, #tpu.memory_space<vmem>> -> memref<128xi32, #tpu.memory_space<vmem>>
        %dma_wait3A_202 = arith.constant 0 : i32
        %dma_wait3A_203 = arith.constant 0 : i32
        %dma_wait3A_204 = tpu.memref_slice %arg14[%dma_wait3A_202, %dma_wait3A_203] : memref<10000x128xf32, #tpu.memory_space<vmem_shared>> -> memref<10000x128xf32, #tpu.memory_space<vmem_shared>>
        tpu.wait_indirect_dma semaphore(%run_scoped3A_184 : memref<!tpu.dma_semaphore, #tpu.memory_space<semaphore_mem>>) src(%arg12 : memref<128x128xf32, #tpu.memory_space<vmem>>) dst(%dma_wait3A_204 : memref<10000x128xf32, #tpu.memory_space<vmem_shared>>)
        tpu.yield
      }) : () -> ()
      %lt3A_167 = arith.constant 12 : i32
      %lt3A_168 = arith.cmpi slt, %add3A_140, %lt3A_167 : i32
      %convert_element_type3A_169 = arith.extui %lt3A_168 : i1 to i32
      %cond3A_170 = arith.constant 0 : i32
      %cond3A_171 = arith.cmpi ne, %convert_element_type3A_169, %cond3A_170 : i32
      scf.if %cond3A_171 {
        %add3A_184 = arith.constant 2 : i32
        %add3A_185 = arith.addi %mul3A_142, %add3A_184 : i32
        %dma_start3A_186 = arith.constant 0 : i32
        %dma_start3A_187 = arith.constant 0 : i32
        %dma_start3A_188 = arith.constant 0 : i32
        %dma_start3A_189 = tpu.memref_slice %arg8[%add3A_185, %dma_start3A_187, %dma_start3A_188] : memref<26x1x128xi32, #tpu.memory_space<vmem>> -> memref<1x1x128xi32, #tpu.memory_space<vmem>>
        %dma_start3A_190 = tpu.memref_squeeze %dma_start3A_189 : memref<1x1x128xi32, #tpu.memory_space<vmem>> -> memref<1x128xi32, #tpu.memory_space<vmem>>
        %dma_start3A_191 = arith.constant 0 : i32
        %dma_start3A_192 = tpu.memref_slice %dma_start3A_190[%dma_start3A_186, %dma_start3A_191] : memref<1x128xi32, #tpu.memory_space<vmem>> -> memref<1x128xi32, #tpu.memory_space<vmem>>
        %dma_start3A_193 = tpu.memref_squeeze %dma_start3A_192 : memref<1x128xi32, #tpu.memory_space<vmem>> -> memref<128xi32, #tpu.memory_space<vmem>>
        %dma_start3A_194 = arith.constant 0 : i32
        %dma_start3A_195 = arith.constant 0 : i32
        %dma_start3A_196 = tpu.memref_slice %arg2[%dma_start3A_194, %dma_start3A_195] : memref<10000x128xf32, #tpu.memory_space<hbm>> -> memref<10000x128xf32, #tpu.memory_space<hbm>>
        tpu.enqueue_indirect_dma source(%dma_start3A_196 : memref<10000x128xf32, #tpu.memory_space<hbm>>) target(%arg12 : memref<128x128xf32, #tpu.memory_space<vmem>>) offsets(%dma_start3A_193 : memref<128xi32, #tpu.memory_space<vmem>>) semaphore(%arg17 : memref<!tpu.dma_semaphore, #tpu.memory_space<semaphore_mem>>)
      } else {
      }
      %dma_wait3A_172 = arith.constant 0 : i32
      %dma_wait3A_173 = arith.constant 0 : i32
      %dma_wait3A_174 = arith.constant 0 : i32
      %dma_wait3A_175 = tpu.memref_slice %arg8[%add3A_144, %dma_wait3A_173, %dma_wait3A_174] : memref<26x1x128xi32, #tpu.memory_space<vmem>> -> memref<1x1x128xi32, #tpu.memory_space<vmem>>
      %dma_wait3A_176 = tpu.memref_squeeze %dma_wait3A_175 : memref<1x1x128xi32, #tpu.memory_space<vmem>> -> memref<1x128xi32, #tpu.memory_space<vmem>>
      %dma_wait3A_177 = arith.constant 0 : i32
      %dma_wait3A_178 = tpu.memref_slice %dma_wait3A_176[%dma_wait3A_172, %dma_wait3A_177] : memref<1x128xi32, #tpu.memory_space<vmem>> -> memref<1x128xi32, #tpu.memory_space<vmem>>
      %dma_wait3A_179 = tpu.memref_squeeze %dma_wait3A_178 : memref<1x128xi32, #tpu.memory_space<vmem>> -> memref<128xi32, #tpu.memory_space<vmem>>
      %dma_wait3A_180 = arith.constant 0 : i32
      %dma_wait3A_181 = arith.constant 0 : i32
      %dma_wait3A_182 = tpu.memref_slice %arg2[%dma_wait3A_180, %dma_wait3A_181] : memref<10000x128xf32, #tpu.memory_space<hbm>> -> memref<10000x128xf32, #tpu.memory_space<hbm>>
      tpu.wait_indirect_dma semaphore(%arg18 : memref<!tpu.dma_semaphore, #tpu.memory_space<semaphore_mem>>) src(%dma_wait3A_182 : memref<10000x128xf32, #tpu.memory_space<hbm>>) dst(%arg13 : memref<128x128xf32, #tpu.memory_space<vmem>>)
      %run_scoped3A_183 = arith.constant 0 : i32
      "tpu.region"() ({
        %run_scoped3A_184 = tpu.sem_alloc : memref<!tpu.dma_semaphore, #tpu.memory_space<semaphore_mem>>
        %dma_start3A_185 = arith.constant 0 : i32
        %dma_start3A_186 = arith.constant 0 : i32
        %dma_start3A_187 = tpu.memref_slice %arg10[%add3A_144, %dma_start3A_185, %dma_start3A_186] : memref<26x1x128xi32, #tpu.memory_space<vmem>> -> memref<1x1x128xi32, #tpu.memory_space<vmem>>
        %dma_start3A_188 = tpu.memref_squeeze %dma_start3A_187 : memref<1x1x128xi32, #tpu.memory_space<vmem>> -> memref<1x128xi32, #tpu.memory_space<vmem>>
        %dma_start3A_189 = arith.constant 0 : i32
        %dma_start3A_190 = tpu.memref_slice %dma_start3A_188[%run_scoped3A_183, %dma_start3A_189] : memref<1x128xi32, #tpu.memory_space<vmem>> -> memref<1x128xi32, #tpu.memory_space<vmem>>
        %dma_start3A_191 = tpu.memref_squeeze %dma_start3A_190 : memref<1x128xi32, #tpu.memory_space<vmem>> -> memref<128xi32, #tpu.memory_space<vmem>>
        %dma_start3A_192 = arith.constant 0 : i32
        %dma_start3A_193 = arith.constant 0 : i32
        %dma_start3A_194 = tpu.memref_slice %arg14[%dma_start3A_192, %dma_start3A_193] : memref<10000x128xf32, #tpu.memory_space<vmem_shared>> -> memref<10000x128xf32, #tpu.memory_space<vmem_shared>>
        tpu.enqueue_indirect_dma source(%arg13 : memref<128x128xf32, #tpu.memory_space<vmem>>) target(%dma_start3A_194 : memref<10000x128xf32, #tpu.memory_space<vmem_shared>>) offsets(%dma_start3A_191 : memref<128xi32, #tpu.memory_space<vmem>>) semaphore(%run_scoped3A_184 : memref<!tpu.dma_semaphore, #tpu.memory_space<semaphore_mem>>) {add = true}
        %dma_wait3A_195 = arith.constant 0 : i32
        %dma_wait3A_196 = arith.constant 0 : i32
        %dma_wait3A_197 = tpu.memref_slice %arg10[%add3A_144, %dma_wait3A_195, %dma_wait3A_196] : memref<26x1x128xi32, #tpu.memory_space<vmem>> -> memref<1x1x128xi32, #tpu.memory_space<vmem>>
        %dma_wait3A_198 = tpu.memref_squeeze %dma_wait3A_197 : memref<1x1x128xi32, #tpu.memory_space<vmem>> -> memref<1x128xi32, #tpu.memory_space<vmem>>
        %dma_wait3A_199 = arith.constant 0 : i32
        %dma_wait3A_200 = tpu.memref_slice %dma_wait3A_198[%run_scoped3A_183, %dma_wait3A_199] : memref<1x128xi32, #tpu.memory_space<vmem>> -> memref<1x128xi32, #tpu.memory_space<vmem>>
        %dma_wait3A_201 = tpu.memref_squeeze %dma_wait3A_200 : memref<1x128xi32, #tpu.memory_space<vmem>> -> memref<128xi32, #tpu.memory_space<vmem>>
        %dma_wait3A_202 = arith.constant 0 : i32
        %dma_wait3A_203 = arith.constant 0 : i32
        %dma_wait3A_204 = tpu.memref_slice %arg14[%dma_wait3A_202, %dma_wait3A_203] : memref<10000x128xf32, #tpu.memory_space<vmem_shared>> -> memref<10000x128xf32, #tpu.memory_space<vmem_shared>>
        tpu.wait_indirect_dma semaphore(%run_scoped3A_184 : memref<!tpu.dma_semaphore, #tpu.memory_space<semaphore_mem>>) src(%arg13 : memref<128x128xf32, #tpu.memory_space<vmem>>) dst(%dma_wait3A_204 : memref<10000x128xf32, #tpu.memory_space<vmem_shared>>)
        tpu.yield
      }) : () -> ()
    }
    %scan3A_99 = arith.constant 13 : i32
    %dma_wait3A_100 = arith.constant 0 : i32
    %dma_wait3A_101 = arith.constant 0 : i32
    %dma_wait3A_102 = tpu.memref_slice %arg3[%add3A_70, %dma_wait3A_100, %dma_wait3A_101] : memref<2500x1x128xi32, #tpu.memory_space<hbm>> -> memref<26x1x128xi32, #tpu.memory_space<hbm>>
    %dma_wait3A_103 = arith.constant 0 : i32
    %dma_wait3A_104 = arith.constant 0 : i32
    %dma_wait3A_105 = tpu.memref_slice %arg3[%add3A_70, %dma_wait3A_103, %dma_wait3A_104] : memref<2500x1x128xi32, #tpu.memory_space<hbm>> -> memref<26x1x128xi32, #tpu.memory_space<hbm>>
    tpu.wait_dma2 semaphore(%arg15 : memref<!tpu.dma_semaphore, #tpu.memory_space<semaphore_mem>>) src(%dma_wait3A_105 : memref<26x1x128xi32, #tpu.memory_space<hbm>>) dst(%arg7 : memref<26x1x128xi32, #tpu.memory_space<vmem>>)
    %dma_wait3A_106 = arith.constant 0 : i32
    %dma_wait3A_107 = arith.constant 0 : i32
    %dma_wait3A_108 = tpu.memref_slice %arg4[%add3A_70, %dma_wait3A_106, %dma_wait3A_107] : memref<2500x1x128xi32, #tpu.memory_space<hbm>> -> memref<26x1x128xi32, #tpu.memory_space<hbm>>
    %dma_wait3A_109 = arith.constant 0 : i32
    %dma_wait3A_110 = arith.constant 0 : i32
    %dma_wait3A_111 = tpu.memref_slice %arg4[%add3A_70, %dma_wait3A_109, %dma_wait3A_110] : memref<2500x1x128xi32, #tpu.memory_space<hbm>> -> memref<26x1x128xi32, #tpu.memory_space<hbm>>
    tpu.wait_dma2 semaphore(%arg16 : memref<!tpu.dma_semaphore, #tpu.memory_space<semaphore_mem>>) src(%dma_wait3A_111 : memref<26x1x128xi32, #tpu.memory_space<hbm>>) dst(%arg9 : memref<26x1x128xi32, #tpu.memory_space<vmem>>)
    %dma_start3A_112 = arith.constant 0 : i32
    %dma_start3A_113 = arith.constant 0 : i32
    %dma_start3A_114 = arith.constant 0 : i32
    %dma_start3A_115 = arith.constant 0 : i32
    %dma_start3A_116 = tpu.memref_slice %arg7[%dma_start3A_112, %dma_start3A_114, %dma_start3A_115] : memref<26x1x128xi32, #tpu.memory_space<vmem>> -> memref<1x1x128xi32, #tpu.memory_space<vmem>>
    %dma_start3A_117 = tpu.memref_squeeze %dma_start3A_116 : memref<1x1x128xi32, #tpu.memory_space<vmem>> -> memref<1x128xi32, #tpu.memory_space<vmem>>
    %dma_start3A_118 = arith.constant 0 : i32
    %dma_start3A_119 = tpu.memref_slice %dma_start3A_117[%dma_start3A_113, %dma_start3A_118] : memref<1x128xi32, #tpu.memory_space<vmem>> -> memref<1x128xi32, #tpu.memory_space<vmem>>
    %dma_start3A_120 = tpu.memref_squeeze %dma_start3A_119 : memref<1x128xi32, #tpu.memory_space<vmem>> -> memref<128xi32, #tpu.memory_space<vmem>>
    %dma_start3A_121 = arith.constant 0 : i32
    %dma_start3A_122 = arith.constant 0 : i32
    %dma_start3A_123 = tpu.memref_slice %arg2[%dma_start3A_121, %dma_start3A_122] : memref<10000x128xf32, #tpu.memory_space<hbm>> -> memref<10000x128xf32, #tpu.memory_space<hbm>>
    tpu.enqueue_indirect_dma source(%dma_start3A_123 : memref<10000x128xf32, #tpu.memory_space<hbm>>) target(%arg12 : memref<128x128xf32, #tpu.memory_space<vmem>>) offsets(%dma_start3A_120 : memref<128xi32, #tpu.memory_space<vmem>>) semaphore(%arg17 : memref<!tpu.dma_semaphore, #tpu.memory_space<semaphore_mem>>)
    %scan3A_124 = arith.constant 0 : i32
    %scan3A_125 = arith.constant 13 : i32
    %scan3A_126 = arith.addi %scan3A_124, %scan3A_125 : i32
    %scan3A_127 = arith.constant 1 : i32
    scf.for %scan3A_136 = %scan3A_124 to %scan3A_126 step %scan3A_127  : i32 {
      %mul3A_137 = arith.constant 1 : i32
      %mul3A_138 = arith.muli %scan3A_136, %mul3A_137 : i32
      %add3A_139 = arith.constant 0 : i32
      %add3A_140 = arith.addi %add3A_139, %mul3A_138 : i32
      %mul3A_141 = arith.constant 2 : i32
      %mul3A_142 = arith.muli %mul3A_141, %add3A_140 : i32
      %add3A_143 = arith.constant 1 : i32
      %add3A_144 = arith.addi %mul3A_142, %add3A_143 : i32
      %dma_start3A_145 = arith.constant 0 : i32
      %dma_start3A_146 = arith.constant 0 : i32
      %dma_start3A_147 = arith.constant 0 : i32
      %dma_start3A_148 = tpu.memref_slice %arg7[%add3A_144, %dma_start3A_146, %dma_start3A_147] : memref<26x1x128xi32, #tpu.memory_space<vmem>> -> memref<1x1x128xi32, #tpu.memory_space<vmem>>
      %dma_start3A_149 = tpu.memref_squeeze %dma_start3A_148 : memref<1x1x128xi32, #tpu.memory_space<vmem>> -> memref<1x128xi32, #tpu.memory_space<vmem>>
      %dma_start3A_150 = arith.constant 0 : i32
      %dma_start3A_151 = tpu.memref_slice %dma_start3A_149[%dma_start3A_145, %dma_start3A_150] : memref<1x128xi32, #tpu.memory_space<vmem>> -> memref<1x128xi32, #tpu.memory_space<vmem>>
      %dma_start3A_152 = tpu.memref_squeeze %dma_start3A_151 : memref<1x128xi32, #tpu.memory_space<vmem>> -> memref<128xi32, #tpu.memory_space<vmem>>
      %dma_start3A_153 = arith.constant 0 : i32
      %dma_start3A_154 = arith.constant 0 : i32
      %dma_start3A_155 = tpu.memref_slice %arg2[%dma_start3A_153, %dma_start3A_154] : memref<10000x128xf32, #tpu.memory_space<hbm>> -> memref<10000x128xf32, #tpu.memory_space<hbm>>
      tpu.enqueue_indirect_dma source(%dma_start3A_155 : memref<10000x128xf32, #tpu.memory_space<hbm>>) target(%arg13 : memref<128x128xf32, #tpu.memory_space<vmem>>) offsets(%dma_start3A_152 : memref<128xi32, #tpu.memory_space<vmem>>) semaphore(%arg18 : memref<!tpu.dma_semaphore, #tpu.memory_space<semaphore_mem>>)
      %dma_wait3A_156 = arith.constant 0 : i32
      %dma_wait3A_157 = arith.constant 0 : i32
      %dma_wait3A_158 = arith.constant 0 : i32
      %dma_wait3A_159 = tpu.memref_slice %arg7[%mul3A_142, %dma_wait3A_157, %dma_wait3A_158] : memref<26x1x128xi32, #tpu.memory_space<vmem>> -> memref<1x1x128xi32, #tpu.memory_space<vmem>>
      %dma_wait3A_160 = tpu.memref_squeeze %dma_wait3A_159 : memref<1x1x128xi32, #tpu.memory_space<vmem>> -> memref<1x128xi32, #tpu.memory_space<vmem>>
      %dma_wait3A_161 = arith.constant 0 : i32
      %dma_wait3A_162 = tpu.memref_slice %dma_wait3A_160[%dma_wait3A_156, %dma_wait3A_161] : memref<1x128xi32, #tpu.memory_space<vmem>> -> memref<1x128xi32, #tpu.memory_space<vmem>>
      %dma_wait3A_163 = tpu.memref_squeeze %dma_wait3A_162 : memref<1x128xi32, #tpu.memory_space<vmem>> -> memref<128xi32, #tpu.memory_space<vmem>>
      %dma_wait3A_164 = arith.constant 0 : i32
      %dma_wait3A_165 = arith.constant 0 : i32
      %dma_wait3A_166 = tpu.memref_slice %arg2[%dma_wait3A_164, %dma_wait3A_165] : memref<10000x128xf32, #tpu.memory_space<hbm>> -> memref<10000x128xf32, #tpu.memory_space<hbm>>
      tpu.wait_indirect_dma semaphore(%arg17 : memref<!tpu.dma_semaphore, #tpu.memory_space<semaphore_mem>>) src(%dma_wait3A_166 : memref<10000x128xf32, #tpu.memory_space<hbm>>) dst(%arg12 : memref<128x128xf32, #tpu.memory_space<vmem>>)
      %run_scoped3A = arith.constant 0 : i32
      "tpu.region"() ({
        %run_scoped3A_184 = tpu.sem_alloc : memref<!tpu.dma_semaphore, #tpu.memory_space<semaphore_mem>>
        %dma_start3A_185 = arith.constant 0 : i32
        %dma_start3A_186 = arith.constant 0 : i32
        %dma_start3A_187 = tpu.memref_slice %arg9[%mul3A_142, %dma_start3A_185, %dma_start3A_186] : memref<26x1x128xi32, #tpu.memory_space<vmem>> -> memref<1x1x128xi32, #tpu.memory_space<vmem>>
        %dma_start3A_188 = tpu.memref_squeeze %dma_start3A_187 : memref<1x1x128xi32, #tpu.memory_space<vmem>> -> memref<1x128xi32, #tpu.memory_space<vmem>>
        %dma_start3A_189 = arith.constant 0 : i32
        %dma_start3A_190 = tpu.memref_slice %dma_start3A_188[%run_scoped3A, %dma_start3A_189] : memref<1x128xi32, #tpu.memory_space<vmem>> -> memref<1x128xi32, #tpu.memory_space<vmem>>
        %dma_start3A_191 = tpu.memref_squeeze %dma_start3A_190 : memref<1x128xi32, #tpu.memory_space<vmem>> -> memref<128xi32, #tpu.memory_space<vmem>>
        %dma_start3A_192 = arith.constant 0 : i32
        %dma_start3A_193 = arith.constant 0 : i32
        %dma_start3A_194 = tpu.memref_slice %arg14[%dma_start3A_192, %dma_start3A_193] : memref<10000x128xf32, #tpu.memory_space<vmem_shared>> -> memref<10000x128xf32, #tpu.memory_space<vmem_shared>>
        tpu.enqueue_indirect_dma source(%arg12 : memref<128x128xf32, #tpu.memory_space<vmem>>) target(%dma_start3A_194 : memref<10000x128xf32, #tpu.memory_space<vmem_shared>>) offsets(%dma_start3A_191 : memref<128xi32, #tpu.memory_space<vmem>>) semaphore(%run_scoped3A_184 : memref<!tpu.dma_semaphore, #tpu.memory_space<semaphore_mem>>) {add = true}
        %dma_wait3A_195 = arith.constant 0 : i32
        %dma_wait3A_196 = arith.constant 0 : i32
        %dma_wait3A_197 = tpu.memref_slice %arg9[%mul3A_142, %dma_wait3A_195, %dma_wait3A_196] : memref<26x1x128xi32, #tpu.memory_space<vmem>> -> memref<1x1x128xi32, #tpu.memory_space<vmem>>
        %dma_wait3A_198 = tpu.memref_squeeze %dma_wait3A_197 : memref<1x1x128xi32, #tpu.memory_space<vmem>> -> memref<1x128xi32, #tpu.memory_space<vmem>>
        %dma_wait3A_199 = arith.constant 0 : i32
        %dma_wait3A_200 = tpu.memref_slice %dma_wait3A_198[%run_scoped3A, %dma_wait3A_199] : memref<1x128xi32, #tpu.memory_space<vmem>> -> memref<1x128xi32, #tpu.memory_space<vmem>>
        %dma_wait3A_201 = tpu.memref_squeeze %dma_wait3A_200 : memref<1x128xi32, #tpu.memory_space<vmem>> -> memref<128xi32, #tpu.memory_space<vmem>>
        %dma_wait3A_202 = arith.constant 0 : i32
        %dma_wait3A_203 = arith.constant 0 : i32
        %dma_wait3A_204 = tpu.memref_slice %arg14[%dma_wait3A_202, %dma_wait3A_203] : memref<10000x128xf32, #tpu.memory_space<vmem_shared>> -> memref<10000x128xf32, #tpu.memory_space<vmem_shared>>
        tpu.wait_indirect_dma semaphore(%run_scoped3A_184 : memref<!tpu.dma_semaphore, #tpu.memory_space<semaphore_mem>>) src(%arg12 : memref<128x128xf32, #tpu.memory_space<vmem>>) dst(%dma_wait3A_204 : memref<10000x128xf32, #tpu.memory_space<vmem_shared>>)
        tpu.yield
      }) : () -> ()
      %lt3A_167 = arith.constant 12 : i32
      %lt3A_168 = arith.cmpi slt, %add3A_140, %lt3A_167 : i32
      %convert_element_type3A_169 = arith.extui %lt3A_168 : i1 to i32
      %cond3A_170 = arith.constant 0 : i32
      %cond3A_171 = arith.cmpi ne, %convert_element_type3A_169, %cond3A_170 : i32
      scf.if %cond3A_171 {
        %add3A_184 = arith.constant 2 : i32
        %add3A_185 = arith.addi %mul3A_142, %add3A_184 : i32
        %dma_start3A_186 = arith.constant 0 : i32
        %dma_start3A_187 = arith.constant 0 : i32
        %dma_start3A_188 = arith.constant 0 : i32
        %dma_start3A_189 = tpu.memref_slice %arg7[%add3A_185, %dma_start3A_187, %dma_start3A_188] : memref<26x1x128xi32, #tpu.memory_space<vmem>> -> memref<1x1x128xi32, #tpu.memory_space<vmem>>
        %dma_start3A_190 = tpu.memref_squeeze %dma_start3A_189 : memref<1x1x128xi32, #tpu.memory_space<vmem>> -> memref<1x128xi32, #tpu.memory_space<vmem>>
        %dma_start3A_191 = arith.constant 0 : i32
        %dma_start3A_192 = tpu.memref_slice %dma_start3A_190[%dma_start3A_186, %dma_start3A_191] : memref<1x128xi32, #tpu.memory_space<vmem>> -> memref<1x128xi32, #tpu.memory_space<vmem>>
        %dma_start3A_193 = tpu.memref_squeeze %dma_start3A_192 : memref<1x128xi32, #tpu.memory_space<vmem>> -> memref<128xi32, #tpu.memory_space<vmem>>
        %dma_start3A_194 = arith.constant 0 : i32
        %dma_start3A_195 = arith.constant 0 : i32
        %dma_start3A_196 = tpu.memref_slice %arg2[%dma_start3A_194, %dma_start3A_195] : memref<10000x128xf32, #tpu.memory_space<hbm>> -> memref<10000x128xf32, #tpu.memory_space<hbm>>
        tpu.enqueue_indirect_dma source(%dma_start3A_196 : memref<10000x128xf32, #tpu.memory_space<hbm>>) target(%arg12 : memref<128x128xf32, #tpu.memory_space<vmem>>) offsets(%dma_start3A_193 : memref<128xi32, #tpu.memory_space<vmem>>) semaphore(%arg17 : memref<!tpu.dma_semaphore, #tpu.memory_space<semaphore_mem>>)
      } else {
      }
      %dma_wait3A_172 = arith.constant 0 : i32
      %dma_wait3A_173 = arith.constant 0 : i32
      %dma_wait3A_174 = arith.constant 0 : i32
      %dma_wait3A_175 = tpu.memref_slice %arg7[%add3A_144, %dma_wait3A_173, %dma_wait3A_174] : memref<26x1x128xi32, #tpu.memory_space<vmem>> -> memref<1x1x128xi32, #tpu.memory_space<vmem>>
      %dma_wait3A_176 = tpu.memref_squeeze %dma_wait3A_175 : memref<1x1x128xi32, #tpu.memory_space<vmem>> -> memref<1x128xi32, #tpu.memory_space<vmem>>
      %dma_wait3A_177 = arith.constant 0 : i32
      %dma_wait3A_178 = tpu.memref_slice %dma_wait3A_176[%dma_wait3A_172, %dma_wait3A_177] : memref<1x128xi32, #tpu.memory_space<vmem>> -> memref<1x128xi32, #tpu.memory_space<vmem>>
      %dma_wait3A_179 = tpu.memref_squeeze %dma_wait3A_178 : memref<1x128xi32, #tpu.memory_space<vmem>> -> memref<128xi32, #tpu.memory_space<vmem>>
      %dma_wait3A_180 = arith.constant 0 : i32
      %dma_wait3A_181 = arith.constant 0 : i32
      %dma_wait3A_182 = tpu.memref_slice %arg2[%dma_wait3A_180, %dma_wait3A_181] : memref<10000x128xf32, #tpu.memory_space<hbm>> -> memref<10000x128xf32, #tpu.memory_space<hbm>>
      tpu.wait_indirect_dma semaphore(%arg18 : memref<!tpu.dma_semaphore, #tpu.memory_space<semaphore_mem>>) src(%dma_wait3A_182 : memref<10000x128xf32, #tpu.memory_space<hbm>>) dst(%arg13 : memref<128x128xf32, #tpu.memory_space<vmem>>)
      %run_scoped3A_183 = arith.constant 0 : i32
      "tpu.region"() ({
        %run_scoped3A_184 = tpu.sem_alloc : memref<!tpu.dma_semaphore, #tpu.memory_space<semaphore_mem>>
        %dma_start3A_185 = arith.constant 0 : i32
        %dma_start3A_186 = arith.constant 0 : i32
        %dma_start3A_187 = tpu.memref_slice %arg9[%add3A_144, %dma_start3A_185, %dma_start3A_186] : memref<26x1x128xi32, #tpu.memory_space<vmem>> -> memref<1x1x128xi32, #tpu.memory_space<vmem>>
        %dma_start3A_188 = tpu.memref_squeeze %dma_start3A_187 : memref<1x1x128xi32, #tpu.memory_space<vmem>> -> memref<1x128xi32, #tpu.memory_space<vmem>>
        %dma_start3A_189 = arith.constant 0 : i32
        %dma_start3A_190 = tpu.memref_slice %dma_start3A_188[%run_scoped3A_183, %dma_start3A_189] : memref<1x128xi32, #tpu.memory_space<vmem>> -> memref<1x128xi32, #tpu.memory_space<vmem>>
        %dma_start3A_191 = tpu.memref_squeeze %dma_start3A_190 : memref<1x128xi32, #tpu.memory_space<vmem>> -> memref<128xi32, #tpu.memory_space<vmem>>
        %dma_start3A_192 = arith.constant 0 : i32
        %dma_start3A_193 = arith.constant 0 : i32
        %dma_start3A_194 = tpu.memref_slice %arg14[%dma_start3A_192, %dma_start3A_193] : memref<10000x128xf32, #tpu.memory_space<vmem_shared>> -> memref<10000x128xf32, #tpu.memory_space<vmem_shared>>
        tpu.enqueue_indirect_dma source(%arg13 : memref<128x128xf32, #tpu.memory_space<vmem>>) target(%dma_start3A_194 : memref<10000x128xf32, #tpu.memory_space<vmem_shared>>) offsets(%dma_start3A_191 : memref<128xi32, #tpu.memory_space<vmem>>) semaphore(%run_scoped3A_184 : memref<!tpu.dma_semaphore, #tpu.memory_space<semaphore_mem>>) {add = true}
        %dma_wait3A_195 = arith.constant 0 : i32
        %dma_wait3A_196 = arith.constant 0 : i32
        %dma_wait3A_197 = tpu.memref_slice %arg9[%add3A_144, %dma_wait3A_195, %dma_wait3A_196] : memref<26x1x128xi32, #tpu.memory_space<vmem>> -> memref<1x1x128xi32, #tpu.memory_space<vmem>>
        %dma_wait3A_198 = tpu.memref_squeeze %dma_wait3A_197 : memref<1x1x128xi32, #tpu.memory_space<vmem>> -> memref<1x128xi32, #tpu.memory_space<vmem>>
        %dma_wait3A_199 = arith.constant 0 : i32
        %dma_wait3A_200 = tpu.memref_slice %dma_wait3A_198[%run_scoped3A_183, %dma_wait3A_199] : memref<1x128xi32, #tpu.memory_space<vmem>> -> memref<1x128xi32, #tpu.memory_space<vmem>>
        %dma_wait3A_201 = tpu.memref_squeeze %dma_wait3A_200 : memref<1x128xi32, #tpu.memory_space<vmem>> -> memref<128xi32, #tpu.memory_space<vmem>>
        %dma_wait3A_202 = arith.constant 0 : i32
        %dma_wait3A_203 = arith.constant 0 : i32
        %dma_wait3A_204 = tpu.memref_slice %arg14[%dma_wait3A_202, %dma_wait3A_203] : memref<10000x128xf32, #tpu.memory_space<vmem_shared>> -> memref<10000x128xf32, #tpu.memory_space<vmem_shared>>
        tpu.wait_indirect_dma semaphore(%run_scoped3A_184 : memref<!tpu.dma_semaphore, #tpu.memory_space<semaphore_mem>>) src(%arg13 : memref<128x128xf32, #tpu.memory_space<vmem>>) dst(%dma_wait3A_204 : memref<10000x128xf32, #tpu.memory_space<vmem_shared>>)
        tpu.yield
      }) : () -> ()
    }
    %scan3A_128 = arith.constant 13 : i32
    %lt3A = arith.constant 4 : i32
    %lt3A_129 = arith.cmpi slt, %add3A, %lt3A : i32
    %convert_element_type3A = arith.extui %lt3A_129 : i1 to i32
    %cond3A = arith.constant 0 : i32
    %cond3A_130 = arith.cmpi ne, %convert_element_type3A, %cond3A : i32
    scf.if %cond3A_130 {
      %add3A_136 = arith.constant 2496 : i32
      %add3A_137 = arith.addi %add3A_136, %add3A : i32
      %run_scoped3A = arith.constant 0 : i32
      "tpu.region"() ({
        %run_scoped3A_165 = tpu.sem_alloc : memref<!tpu.dma_semaphore, #tpu.memory_space<semaphore_mem>>
        %dma_start3A_166 = arith.constant 0 : i32
        %dma_start3A_167 = arith.constant 0 : i32
        %dma_start3A_168 = tpu.memref_slice %arg11[%run_scoped3A, %dma_start3A_166, %dma_start3A_167] : memref<2x1x128xi32, #tpu.memory_space<vmem>> -> memref<1x1x128xi32, #tpu.memory_space<vmem>>
        %dma_start3A_169 = tpu.memref_squeeze %dma_start3A_168 : memref<1x1x128xi32, #tpu.memory_space<vmem>> -> memref<1x128xi32, #tpu.memory_space<vmem>>
        %dma_start3A_170 = arith.constant 0 : i32
        %dma_start3A_171 = arith.constant 0 : i32
        %dma_start3A_172 = tpu.memref_slice %arg3[%add3A_137, %dma_start3A_170, %dma_start3A_171] : memref<2500x1x128xi32, #tpu.memory_space<hbm>> -> memref<1x1x128xi32, #tpu.memory_space<hbm>>
        %dma_start3A_173 = tpu.memref_squeeze %dma_start3A_172 : memref<1x1x128xi32, #tpu.memory_space<hbm>> -> memref<1x128xi32, #tpu.memory_space<hbm>>
        %dma_start3A_174 = arith.constant 0 : i32
        %dma_start3A_175 = arith.constant 0 : i32
        %dma_start3A_176 = tpu.memref_slice %arg11[%run_scoped3A, %dma_start3A_174, %dma_start3A_175] : memref<2x1x128xi32, #tpu.memory_space<vmem>> -> memref<1x1x128xi32, #tpu.memory_space<vmem>>
        %dma_start3A_177 = tpu.memref_squeeze %dma_start3A_176 : memref<1x1x128xi32, #tpu.memory_space<vmem>> -> memref<1x128xi32, #tpu.memory_space<vmem>>
        %dma_start3A_178 = arith.constant 0 : i32
        %dma_start3A_179 = arith.constant 0 : i32
        %dma_start3A_180 = tpu.memref_slice %arg3[%add3A_137, %dma_start3A_178, %dma_start3A_179] : memref<2500x1x128xi32, #tpu.memory_space<hbm>> -> memref<1x1x128xi32, #tpu.memory_space<hbm>>
        %dma_start3A_181 = tpu.memref_squeeze %dma_start3A_180 : memref<1x1x128xi32, #tpu.memory_space<hbm>> -> memref<1x128xi32, #tpu.memory_space<hbm>>
        tpu.enqueue_dma source(%dma_start3A_181 : memref<1x128xi32, #tpu.memory_space<hbm>>) target(%dma_start3A_177 : memref<1x128xi32, #tpu.memory_space<vmem>>) target_semaphore(%run_scoped3A_165 : memref<!tpu.dma_semaphore, #tpu.memory_space<semaphore_mem>>)
        %dma_wait3A_182 = arith.constant 0 : i32
        %dma_wait3A_183 = arith.constant 0 : i32
        %dma_wait3A_184 = tpu.memref_slice %arg11[%run_scoped3A, %dma_wait3A_182, %dma_wait3A_183] : memref<2x1x128xi32, #tpu.memory_space<vmem>> -> memref<1x1x128xi32, #tpu.memory_space<vmem>>
        %dma_wait3A_185 = tpu.memref_squeeze %dma_wait3A_184 : memref<1x1x128xi32, #tpu.memory_space<vmem>> -> memref<1x128xi32, #tpu.memory_space<vmem>>
        %dma_wait3A_186 = arith.constant 0 : i32
        %dma_wait3A_187 = arith.constant 0 : i32
        %dma_wait3A_188 = tpu.memref_slice %arg3[%add3A_137, %dma_wait3A_186, %dma_wait3A_187] : memref<2500x1x128xi32, #tpu.memory_space<hbm>> -> memref<1x1x128xi32, #tpu.memory_space<hbm>>
        %dma_wait3A_189 = tpu.memref_squeeze %dma_wait3A_188 : memref<1x1x128xi32, #tpu.memory_space<hbm>> -> memref<1x128xi32, #tpu.memory_space<hbm>>
        %dma_wait3A_190 = arith.constant 0 : i32
        %dma_wait3A_191 = arith.constant 0 : i32
        %dma_wait3A_192 = tpu.memref_slice %arg11[%run_scoped3A, %dma_wait3A_190, %dma_wait3A_191] : memref<2x1x128xi32, #tpu.memory_space<vmem>> -> memref<1x1x128xi32, #tpu.memory_space<vmem>>
        %dma_wait3A_193 = tpu.memref_squeeze %dma_wait3A_192 : memref<1x1x128xi32, #tpu.memory_space<vmem>> -> memref<1x128xi32, #tpu.memory_space<vmem>>
        %dma_wait3A_194 = arith.constant 0 : i32
        %dma_wait3A_195 = arith.constant 0 : i32
        %dma_wait3A_196 = tpu.memref_slice %arg3[%add3A_137, %dma_wait3A_194, %dma_wait3A_195] : memref<2500x1x128xi32, #tpu.memory_space<hbm>> -> memref<1x1x128xi32, #tpu.memory_space<hbm>>
        %dma_wait3A_197 = tpu.memref_squeeze %dma_wait3A_196 : memref<1x1x128xi32, #tpu.memory_space<hbm>> -> memref<1x128xi32, #tpu.memory_space<hbm>>
        tpu.wait_dma2 semaphore(%run_scoped3A_165 : memref<!tpu.dma_semaphore, #tpu.memory_space<semaphore_mem>>) src(%dma_wait3A_197 : memref<1x128xi32, #tpu.memory_space<hbm>>) dst(%dma_wait3A_193 : memref<1x128xi32, #tpu.memory_space<vmem>>)
        tpu.yield
      }) : () -> ()
      %run_scoped3A_138 = arith.constant 1 : i32
      "tpu.region"() ({
        %run_scoped3A_165 = tpu.sem_alloc : memref<!tpu.dma_semaphore, #tpu.memory_space<semaphore_mem>>
        %dma_start3A_166 = arith.constant 0 : i32
        %dma_start3A_167 = arith.constant 0 : i32
        %dma_start3A_168 = tpu.memref_slice %arg11[%run_scoped3A_138, %dma_start3A_166, %dma_start3A_167] : memref<2x1x128xi32, #tpu.memory_space<vmem>> -> memref<1x1x128xi32, #tpu.memory_space<vmem>>
        %dma_start3A_169 = tpu.memref_squeeze %dma_start3A_168 : memref<1x1x128xi32, #tpu.memory_space<vmem>> -> memref<1x128xi32, #tpu.memory_space<vmem>>
        %dma_start3A_170 = arith.constant 0 : i32
        %dma_start3A_171 = arith.constant 0 : i32
        %dma_start3A_172 = tpu.memref_slice %arg4[%add3A_137, %dma_start3A_170, %dma_start3A_171] : memref<2500x1x128xi32, #tpu.memory_space<hbm>> -> memref<1x1x128xi32, #tpu.memory_space<hbm>>
        %dma_start3A_173 = tpu.memref_squeeze %dma_start3A_172 : memref<1x1x128xi32, #tpu.memory_space<hbm>> -> memref<1x128xi32, #tpu.memory_space<hbm>>
        %dma_start3A_174 = arith.constant 0 : i32
        %dma_start3A_175 = arith.constant 0 : i32
        %dma_start3A_176 = tpu.memref_slice %arg11[%run_scoped3A_138, %dma_start3A_174, %dma_start3A_175] : memref<2x1x128xi32, #tpu.memory_space<vmem>> -> memref<1x1x128xi32, #tpu.memory_space<vmem>>
        %dma_start3A_177 = tpu.memref_squeeze %dma_start3A_176 : memref<1x1x128xi32, #tpu.memory_space<vmem>> -> memref<1x128xi32, #tpu.memory_space<vmem>>
        %dma_start3A_178 = arith.constant 0 : i32
        %dma_start3A_179 = arith.constant 0 : i32
        %dma_start3A_180 = tpu.memref_slice %arg4[%add3A_137, %dma_start3A_178, %dma_start3A_179] : memref<2500x1x128xi32, #tpu.memory_space<hbm>> -> memref<1x1x128xi32, #tpu.memory_space<hbm>>
        %dma_start3A_181 = tpu.memref_squeeze %dma_start3A_180 : memref<1x1x128xi32, #tpu.memory_space<hbm>> -> memref<1x128xi32, #tpu.memory_space<hbm>>
        tpu.enqueue_dma source(%dma_start3A_181 : memref<1x128xi32, #tpu.memory_space<hbm>>) target(%dma_start3A_177 : memref<1x128xi32, #tpu.memory_space<vmem>>) target_semaphore(%run_scoped3A_165 : memref<!tpu.dma_semaphore, #tpu.memory_space<semaphore_mem>>)
        %dma_wait3A_182 = arith.constant 0 : i32
        %dma_wait3A_183 = arith.constant 0 : i32
        %dma_wait3A_184 = tpu.memref_slice %arg11[%run_scoped3A_138, %dma_wait3A_182, %dma_wait3A_183] : memref<2x1x128xi32, #tpu.memory_space<vmem>> -> memref<1x1x128xi32, #tpu.memory_space<vmem>>
        %dma_wait3A_185 = tpu.memref_squeeze %dma_wait3A_184 : memref<1x1x128xi32, #tpu.memory_space<vmem>> -> memref<1x128xi32, #tpu.memory_space<vmem>>
        %dma_wait3A_186 = arith.constant 0 : i32
        %dma_wait3A_187 = arith.constant 0 : i32
        %dma_wait3A_188 = tpu.memref_slice %arg4[%add3A_137, %dma_wait3A_186, %dma_wait3A_187] : memref<2500x1x128xi32, #tpu.memory_space<hbm>> -> memref<1x1x128xi32, #tpu.memory_space<hbm>>
        %dma_wait3A_189 = tpu.memref_squeeze %dma_wait3A_188 : memref<1x1x128xi32, #tpu.memory_space<hbm>> -> memref<1x128xi32, #tpu.memory_space<hbm>>
        %dma_wait3A_190 = arith.constant 0 : i32
        %dma_wait3A_191 = arith.constant 0 : i32
        %dma_wait3A_192 = tpu.memref_slice %arg11[%run_scoped3A_138, %dma_wait3A_190, %dma_wait3A_191] : memref<2x1x128xi32, #tpu.memory_space<vmem>> -> memref<1x1x128xi32, #tpu.memory_space<vmem>>
        %dma_wait3A_193 = tpu.memref_squeeze %dma_wait3A_192 : memref<1x1x128xi32, #tpu.memory_space<vmem>> -> memref<1x128xi32, #tpu.memory_space<vmem>>
        %dma_wait3A_194 = arith.constant 0 : i32
        %dma_wait3A_195 = arith.constant 0 : i32
        %dma_wait3A_196 = tpu.memref_slice %arg4[%add3A_137, %dma_wait3A_194, %dma_wait3A_195] : memref<2500x1x128xi32, #tpu.memory_space<hbm>> -> memref<1x1x128xi32, #tpu.memory_space<hbm>>
        %dma_wait3A_197 = tpu.memref_squeeze %dma_wait3A_196 : memref<1x1x128xi32, #tpu.memory_space<hbm>> -> memref<1x128xi32, #tpu.memory_space<hbm>>
        tpu.wait_dma2 semaphore(%run_scoped3A_165 : memref<!tpu.dma_semaphore, #tpu.memory_space<semaphore_mem>>) src(%dma_wait3A_197 : memref<1x128xi32, #tpu.memory_space<hbm>>) dst(%dma_wait3A_193 : memref<1x128xi32, #tpu.memory_space<vmem>>)
        tpu.yield
      }) : () -> ()
      %dma_start3A_139 = arith.constant 0 : i32
      %dma_start3A_140 = arith.constant 0 : i32
      %dma_start3A_141 = arith.constant 0 : i32
      %dma_start3A_142 = arith.constant 0 : i32
      %dma_start3A_143 = tpu.memref_slice %arg11[%dma_start3A_139, %dma_start3A_141, %dma_start3A_142] : memref<2x1x128xi32, #tpu.memory_space<vmem>> -> memref<1x1x128xi32, #tpu.memory_space<vmem>>
      %dma_start3A_144 = tpu.memref_squeeze %dma_start3A_143 : memref<1x1x128xi32, #tpu.memory_space<vmem>> -> memref<1x128xi32, #tpu.memory_space<vmem>>
      %dma_start3A_145 = arith.constant 0 : i32
      %dma_start3A_146 = tpu.memref_slice %dma_start3A_144[%dma_start3A_140, %dma_start3A_145] : memref<1x128xi32, #tpu.memory_space<vmem>> -> memref<1x128xi32, #tpu.memory_space<vmem>>
      %dma_start3A_147 = tpu.memref_squeeze %dma_start3A_146 : memref<1x128xi32, #tpu.memory_space<vmem>> -> memref<128xi32, #tpu.memory_space<vmem>>
      %dma_start3A_148 = arith.constant 0 : i32
      %dma_start3A_149 = arith.constant 0 : i32
      %dma_start3A_150 = tpu.memref_slice %arg2[%dma_start3A_148, %dma_start3A_149] : memref<10000x128xf32, #tpu.memory_space<hbm>> -> memref<10000x128xf32, #tpu.memory_space<hbm>>
      tpu.enqueue_indirect_dma source(%dma_start3A_150 : memref<10000x128xf32, #tpu.memory_space<hbm>>) target(%arg12 : memref<128x128xf32, #tpu.memory_space<vmem>>) offsets(%dma_start3A_147 : memref<128xi32, #tpu.memory_space<vmem>>) semaphore(%arg17 : memref<!tpu.dma_semaphore, #tpu.memory_space<semaphore_mem>>)
      %dma_wait3A_151 = arith.constant 0 : i32
      %dma_wait3A_152 = arith.constant 0 : i32
      %dma_wait3A_153 = arith.constant 0 : i32
      %dma_wait3A_154 = arith.constant 0 : i32
      %dma_wait3A_155 = tpu.memref_slice %arg11[%dma_wait3A_151, %dma_wait3A_153, %dma_wait3A_154] : memref<2x1x128xi32, #tpu.memory_space<vmem>> -> memref<1x1x128xi32, #tpu.memory_space<vmem>>
      %dma_wait3A_156 = tpu.memref_squeeze %dma_wait3A_155 : memref<1x1x128xi32, #tpu.memory_space<vmem>> -> memref<1x128xi32, #tpu.memory_space<vmem>>
      %dma_wait3A_157 = arith.constant 0 : i32
      %dma_wait3A_158 = tpu.memref_slice %dma_wait3A_156[%dma_wait3A_152, %dma_wait3A_157] : memref<1x128xi32, #tpu.memory_space<vmem>> -> memref<1x128xi32, #tpu.memory_space<vmem>>
      %dma_wait3A_159 = tpu.memref_squeeze %dma_wait3A_158 : memref<1x128xi32, #tpu.memory_space<vmem>> -> memref<128xi32, #tpu.memory_space<vmem>>
      %dma_wait3A_160 = arith.constant 0 : i32
      %dma_wait3A_161 = arith.constant 0 : i32
      %dma_wait3A_162 = tpu.memref_slice %arg2[%dma_wait3A_160, %dma_wait3A_161] : memref<10000x128xf32, #tpu.memory_space<hbm>> -> memref<10000x128xf32, #tpu.memory_space<hbm>>
      tpu.wait_indirect_dma semaphore(%arg17 : memref<!tpu.dma_semaphore, #tpu.memory_space<semaphore_mem>>) src(%dma_wait3A_162 : memref<10000x128xf32, #tpu.memory_space<hbm>>) dst(%arg12 : memref<128x128xf32, #tpu.memory_space<vmem>>)
      %run_scoped3A_163 = arith.constant 1 : i32
      %run_scoped3A_164 = arith.constant 0 : i32
      "tpu.region"() ({
        %run_scoped3A_165 = tpu.sem_alloc : memref<!tpu.dma_semaphore, #tpu.memory_space<semaphore_mem>>
        %dma_start3A_166 = arith.constant 0 : i32
        %dma_start3A_167 = arith.constant 0 : i32
        %dma_start3A_168 = tpu.memref_slice %arg11[%run_scoped3A_163, %dma_start3A_166, %dma_start3A_167] : memref<2x1x128xi32, #tpu.memory_space<vmem>> -> memref<1x1x128xi32, #tpu.memory_space<vmem>>
        %dma_start3A_169 = tpu.memref_squeeze %dma_start3A_168 : memref<1x1x128xi32, #tpu.memory_space<vmem>> -> memref<1x128xi32, #tpu.memory_space<vmem>>
        %dma_start3A_170 = arith.constant 0 : i32
        %dma_start3A_171 = tpu.memref_slice %dma_start3A_169[%run_scoped3A_164, %dma_start3A_170] : memref<1x128xi32, #tpu.memory_space<vmem>> -> memref<1x128xi32, #tpu.memory_space<vmem>>
        %dma_start3A_172 = tpu.memref_squeeze %dma_start3A_171 : memref<1x128xi32, #tpu.memory_space<vmem>> -> memref<128xi32, #tpu.memory_space<vmem>>
        %dma_start3A_173 = arith.constant 0 : i32
        %dma_start3A_174 = arith.constant 0 : i32
        %dma_start3A_175 = tpu.memref_slice %arg14[%dma_start3A_173, %dma_start3A_174] : memref<10000x128xf32, #tpu.memory_space<vmem_shared>> -> memref<10000x128xf32, #tpu.memory_space<vmem_shared>>
        tpu.enqueue_indirect_dma source(%arg12 : memref<128x128xf32, #tpu.memory_space<vmem>>) target(%dma_start3A_175 : memref<10000x128xf32, #tpu.memory_space<vmem_shared>>) offsets(%dma_start3A_172 : memref<128xi32, #tpu.memory_space<vmem>>) semaphore(%run_scoped3A_165 : memref<!tpu.dma_semaphore, #tpu.memory_space<semaphore_mem>>) {add = true}
        %dma_wait3A_176 = arith.constant 0 : i32
        %dma_wait3A_177 = arith.constant 0 : i32
        %dma_wait3A_178 = tpu.memref_slice %arg11[%run_scoped3A_163, %dma_wait3A_176, %dma_wait3A_177] : memref<2x1x128xi32, #tpu.memory_space<vmem>> -> memref<1x1x128xi32, #tpu.memory_space<vmem>>
        %dma_wait3A_179 = tpu.memref_squeeze %dma_wait3A_178 : memref<1x1x128xi32, #tpu.memory_space<vmem>> -> memref<1x128xi32, #tpu.memory_space<vmem>>
        %dma_wait3A_180 = arith.constant 0 : i32
        %dma_wait3A_181 = tpu.memref_slice %dma_wait3A_179[%run_scoped3A_164, %dma_wait3A_180] : memref<1x128xi32, #tpu.memory_space<vmem>> -> memref<1x128xi32, #tpu.memory_space<vmem>>
        %dma_wait3A_182 = tpu.memref_squeeze %dma_wait3A_181 : memref<1x128xi32, #tpu.memory_space<vmem>> -> memref<128xi32, #tpu.memory_space<vmem>>
        %dma_wait3A_183 = arith.constant 0 : i32
        %dma_wait3A_184 = arith.constant 0 : i32
        %dma_wait3A_185 = tpu.memref_slice %arg14[%dma_wait3A_183, %dma_wait3A_184] : memref<10000x128xf32, #tpu.memory_space<vmem_shared>> -> memref<10000x128xf32, #tpu.memory_space<vmem_shared>>
        tpu.wait_indirect_dma semaphore(%run_scoped3A_165 : memref<!tpu.dma_semaphore, #tpu.memory_space<semaphore_mem>>) src(%arg12 : memref<128x128xf32, #tpu.memory_space<vmem>>) dst(%dma_wait3A_185 : memref<10000x128xf32, #tpu.memory_space<vmem_shared>>)
        tpu.yield
      }) : () -> ()
    } else {
    }
    %barrier3A_131 = arith.constant 0 : index
    tpu.barrier barrier_id(%barrier3A_131)
    %mul3A_132 = arith.constant 624 : i32
    %mul3A_133 = arith.muli %arg1, %mul3A_132 : i32
    %mul3A_134 = arith.constant 624 : i32
    %mul3A_135 = arith.muli %arg1, %mul3A_134 : i32
    "tpu.region"() ({
      %run_scoped3A = tpu.sem_alloc : memref<!tpu.dma_semaphore, #tpu.memory_space<semaphore_mem>>
      %dma_start3A_136 = arith.constant 0 : i32
      %dma_start3A_137 = arith.constant 0 : i32
      %dma_start3A_138 = tpu.memref_slice %arg6[%arg0, %dma_start3A_136, %dma_start3A_137] : memref<2x10000x128xf32, #tpu.memory_space<hbm>> -> memref<1x10000x128xf32, #tpu.memory_space<hbm>>
      %dma_start3A_139 = tpu.memref_squeeze %dma_start3A_138 : memref<1x10000x128xf32, #tpu.memory_space<hbm>> -> memref<10000x128xf32, #tpu.memory_space<hbm>>
      %dma_start3A_140 = arith.constant 0 : i32
      %dma_start3A_141 = tpu.memref_slice %dma_start3A_139[%mul3A_135, %dma_start3A_140] : memref<10000x128xf32, #tpu.memory_space<hbm>> -> memref<640x128xf32, #tpu.memory_space<hbm>>
      %dma_start3A_142 = arith.constant 0 : i32
      %dma_start3A_143 = tpu.memref_slice %arg14[%mul3A_133, %dma_start3A_142] : memref<10000x128xf32, #tpu.memory_space<vmem_shared>> -> memref<640x128xf32, #tpu.memory_space<vmem_shared>>
      tpu.enqueue_dma source(%dma_start3A_143 : memref<640x128xf32, #tpu.memory_space<vmem_shared>>) target(%dma_start3A_141 : memref<640x128xf32, #tpu.memory_space<hbm>>) target_semaphore(%run_scoped3A : memref<!tpu.dma_semaphore, #tpu.memory_space<semaphore_mem>>)
      %dma_wait3A_144 = arith.constant 0 : i32
      %dma_wait3A_145 = arith.constant 0 : i32
      %dma_wait3A_146 = tpu.memref_slice %arg6[%arg0, %dma_wait3A_144, %dma_wait3A_145] : memref<2x10000x128xf32, #tpu.memory_space<hbm>> -> memref<1x10000x128xf32, #tpu.memory_space<hbm>>
      %dma_wait3A_147 = tpu.memref_squeeze %dma_wait3A_146 : memref<1x10000x128xf32, #tpu.memory_space<hbm>> -> memref<10000x128xf32, #tpu.memory_space<hbm>>
      %dma_wait3A_148 = arith.constant 0 : i32
      %dma_wait3A_149 = tpu.memref_slice %dma_wait3A_147[%mul3A_135, %dma_wait3A_148] : memref<10000x128xf32, #tpu.memory_space<hbm>> -> memref<640x128xf32, #tpu.memory_space<hbm>>
      %dma_wait3A_150 = arith.constant 0 : i32
      %dma_wait3A_151 = tpu.memref_slice %arg14[%mul3A_133, %dma_wait3A_150] : memref<10000x128xf32, #tpu.memory_space<vmem_shared>> -> memref<640x128xf32, #tpu.memory_space<vmem_shared>>
      tpu.wait_dma2 semaphore(%run_scoped3A : memref<!tpu.dma_semaphore, #tpu.memory_space<semaphore_mem>>) src(%dma_wait3A_151 : memref<640x128xf32, #tpu.memory_space<vmem_shared>>) dst(%dma_wait3A_149 : memref<640x128xf32, #tpu.memory_space<hbm>>)
      tpu.yield
    }) : () -> ()
    return
  }
}

module attributes {stable_mosaic.version = 14 : i64} {
  func.func @body(%arg0: i32, %arg1: memref<1000x128xf32, #tpu.memory_space<vmem>>, %arg2: memref<2048x128xbf16, #tpu.memory_space<vmem>>, %arg3: memref<1000x128xf32, #tpu.memory_space<vmem>>, %arg4: memref<1000x2048xbf16, #tpu.memory_space<vmem>>) attributes {dimension_semantics = [#tpu.dimension_semantics<arbitrary>], iteration_bounds = array<i64: 10>, scalar_prefetch = 0 : i64, scratch_operands = 1 : i64, tpu.core_type = #tpu.core_type<tc>, window_params = [{transform_indices = @transform_0, window_bounds = array<i64: 1000, 128>}, {pipeline_mode = #tpu.pipeline_mode<synchronous>, transform_indices = @transform_1, window_bounds = array<i64: 2048, 128>}, {transform_indices = @transform_2, window_bounds = array<i64: 1000, 128>}]} {
    %get3A = arith.constant 0 : index
    %get3A_0 = arith.constant 0 : index
    %get3A_1 = vector.load %arg1[%get3A, %get3A_0] : memref<1000x128xf32, #tpu.memory_space<vmem>>, vector<1000x128xf32>
    %cos3A = math.cos %get3A_1 : vector<1000x128xf32>
    %sin3A = math.sin %get3A_1 : vector<1000x128xf32>
    %add3A = arith.addf %cos3A, %cos3A : vector<1000x128xf32>
    %mul3A = arith.mulf %add3A, %cos3A : vector<1000x128xf32>
    %sub3A = arith.constant 1.000000e+00 : f32
    %sub3A_2 = vector.broadcast %sub3A : f32 to vector<1000x128xf32>
    %sub3A_3 = arith.subf %mul3A, %sub3A_2 : vector<1000x128xf32>
    %mul3A_4 = arith.mulf %add3A, %sin3A : vector<1000x128xf32>
    %convert_element_type3A = arith.truncf %cos3A : vector<1000x128xf32> to vector<1000x128xbf16>
    %swap3A = arith.constant 0 : index
    %swap3A_5 = arith.constant 0 : index
    %swap3A_6 = vector.load %arg4[%swap3A, %swap3A_5] : memref<1000x2048xbf16, #tpu.memory_space<vmem>>, vector<1000x128xbf16>
    tpu.vector_store %arg4[%swap3A, %swap3A_5], %convert_element_type3A {strides = array<i32>} : memref<1000x2048xbf16, #tpu.memory_space<vmem>>, vector<1000x128xbf16>,
    %convert_element_type3A_7 = arith.truncf %sin3A : vector<1000x128xf32> to vector<1000x128xbf16>
    %swap3A_8 = arith.constant 0 : index
    %swap3A_9 = arith.constant 1024 : index
    %swap3A_10 = vector.load %arg4[%swap3A_8, %swap3A_9] : memref<1000x2048xbf16, #tpu.memory_space<vmem>>, vector<1000x128xbf16>
    tpu.vector_store %arg4[%swap3A_8, %swap3A_9], %convert_element_type3A_7 {strides = array<i32>} : memref<1000x2048xbf16, #tpu.memory_space<vmem>>, vector<1000x128xbf16>,
    %mul3A_11 = arith.mulf %add3A, %sub3A_3 : vector<1000x128xf32>
    %sub3A_12 = arith.subf %mul3A_11, %cos3A : vector<1000x128xf32>
    %mul3A_13 = arith.mulf %add3A, %mul3A_4 : vector<1000x128xf32>
    %sub3A_14 = arith.subf %mul3A_13, %sin3A : vector<1000x128xf32>
    %convert_element_type3A_15 = arith.truncf %sub3A_3 : vector<1000x128xf32> to vector<1000x128xbf16>
    %swap3A_16 = arith.constant 0 : index
    %swap3A_17 = arith.constant 128 : index
    %swap3A_18 = vector.load %arg4[%swap3A_16, %swap3A_17] : memref<1000x2048xbf16, #tpu.memory_space<vmem>>, vector<1000x128xbf16>
    tpu.vector_store %arg4[%swap3A_16, %swap3A_17], %convert_element_type3A_15 {strides = array<i32>} : memref<1000x2048xbf16, #tpu.memory_space<vmem>>, vector<1000x128xbf16>,
    %convert_element_type3A_19 = arith.truncf %mul3A_4 : vector<1000x128xf32> to vector<1000x128xbf16>
    %swap3A_20 = arith.constant 0 : index
    %swap3A_21 = arith.constant 1152 : index
    %swap3A_22 = vector.load %arg4[%swap3A_20, %swap3A_21] : memref<1000x2048xbf16, #tpu.memory_space<vmem>>, vector<1000x128xbf16>
    tpu.vector_store %arg4[%swap3A_20, %swap3A_21], %convert_element_type3A_19 {strides = array<i32>} : memref<1000x2048xbf16, #tpu.memory_space<vmem>>, vector<1000x128xbf16>,
    %mul3A_23 = arith.mulf %add3A, %sub3A_12 : vector<1000x128xf32>
    %sub3A_24 = arith.subf %mul3A_23, %sub3A_3 : vector<1000x128xf32>
    %mul3A_25 = arith.mulf %add3A, %sub3A_14 : vector<1000x128xf32>
    %sub3A_26 = arith.subf %mul3A_25, %mul3A_4 : vector<1000x128xf32>
    %convert_element_type3A_27 = arith.truncf %sub3A_12 : vector<1000x128xf32> to vector<1000x128xbf16>
    %swap3A_28 = arith.constant 0 : index
    %swap3A_29 = arith.constant 256 : index
    %swap3A_30 = vector.load %arg4[%swap3A_28, %swap3A_29] : memref<1000x2048xbf16, #tpu.memory_space<vmem>>, vector<1000x128xbf16>
    tpu.vector_store %arg4[%swap3A_28, %swap3A_29], %convert_element_type3A_27 {strides = array<i32>} : memref<1000x2048xbf16, #tpu.memory_space<vmem>>, vector<1000x128xbf16>,
    %convert_element_type3A_31 = arith.truncf %sub3A_14 : vector<1000x128xf32> to vector<1000x128xbf16>
    %swap3A_32 = arith.constant 0 : index
    %swap3A_33 = arith.constant 1280 : index
    %swap3A_34 = vector.load %arg4[%swap3A_32, %swap3A_33] : memref<1000x2048xbf16, #tpu.memory_space<vmem>>, vector<1000x128xbf16>
    tpu.vector_store %arg4[%swap3A_32, %swap3A_33], %convert_element_type3A_31 {strides = array<i32>} : memref<1000x2048xbf16, #tpu.memory_space<vmem>>, vector<1000x128xbf16>,
    %mul3A_35 = arith.mulf %add3A, %sub3A_24 : vector<1000x128xf32>
    %sub3A_36 = arith.subf %mul3A_35, %sub3A_12 : vector<1000x128xf32>
    %mul3A_37 = arith.mulf %add3A, %sub3A_26 : vector<1000x128xf32>
    %sub3A_38 = arith.subf %mul3A_37, %sub3A_14 : vector<1000x128xf32>
    %convert_element_type3A_39 = arith.truncf %sub3A_24 : vector<1000x128xf32> to vector<1000x128xbf16>
    %swap3A_40 = arith.constant 0 : index
    %swap3A_41 = arith.constant 384 : index
    %swap3A_42 = vector.load %arg4[%swap3A_40, %swap3A_41] : memref<1000x2048xbf16, #tpu.memory_space<vmem>>, vector<1000x128xbf16>
    tpu.vector_store %arg4[%swap3A_40, %swap3A_41], %convert_element_type3A_39 {strides = array<i32>} : memref<1000x2048xbf16, #tpu.memory_space<vmem>>, vector<1000x128xbf16>,
    %convert_element_type3A_43 = arith.truncf %sub3A_26 : vector<1000x128xf32> to vector<1000x128xbf16>
    %swap3A_44 = arith.constant 0 : index
    %swap3A_45 = arith.constant 1408 : index
    %swap3A_46 = vector.load %arg4[%swap3A_44, %swap3A_45] : memref<1000x2048xbf16, #tpu.memory_space<vmem>>, vector<1000x128xbf16>
    tpu.vector_store %arg4[%swap3A_44, %swap3A_45], %convert_element_type3A_43 {strides = array<i32>} : memref<1000x2048xbf16, #tpu.memory_space<vmem>>, vector<1000x128xbf16>,
    %mul3A_47 = arith.mulf %add3A, %sub3A_36 : vector<1000x128xf32>
    %sub3A_48 = arith.subf %mul3A_47, %sub3A_24 : vector<1000x128xf32>
    %mul3A_49 = arith.mulf %add3A, %sub3A_38 : vector<1000x128xf32>
    %sub3A_50 = arith.subf %mul3A_49, %sub3A_26 : vector<1000x128xf32>
    %convert_element_type3A_51 = arith.truncf %sub3A_36 : vector<1000x128xf32> to vector<1000x128xbf16>
    %swap3A_52 = arith.constant 0 : index
    %swap3A_53 = arith.constant 512 : index
    %swap3A_54 = vector.load %arg4[%swap3A_52, %swap3A_53] : memref<1000x2048xbf16, #tpu.memory_space<vmem>>, vector<1000x128xbf16>
    tpu.vector_store %arg4[%swap3A_52, %swap3A_53], %convert_element_type3A_51 {strides = array<i32>} : memref<1000x2048xbf16, #tpu.memory_space<vmem>>, vector<1000x128xbf16>,
    %convert_element_type3A_55 = arith.truncf %sub3A_38 : vector<1000x128xf32> to vector<1000x128xbf16>
    %swap3A_56 = arith.constant 0 : index
    %swap3A_57 = arith.constant 1536 : index
    %swap3A_58 = vector.load %arg4[%swap3A_56, %swap3A_57] : memref<1000x2048xbf16, #tpu.memory_space<vmem>>, vector<1000x128xbf16>
    tpu.vector_store %arg4[%swap3A_56, %swap3A_57], %convert_element_type3A_55 {strides = array<i32>} : memref<1000x2048xbf16, #tpu.memory_space<vmem>>, vector<1000x128xbf16>,
    %mul3A_59 = arith.mulf %add3A, %sub3A_48 : vector<1000x128xf32>
    %sub3A_60 = arith.subf %mul3A_59, %sub3A_36 : vector<1000x128xf32>
    %mul3A_61 = arith.mulf %add3A, %sub3A_50 : vector<1000x128xf32>
    %sub3A_62 = arith.subf %mul3A_61, %sub3A_38 : vector<1000x128xf32>
    %convert_element_type3A_63 = arith.truncf %sub3A_48 : vector<1000x128xf32> to vector<1000x128xbf16>
    %swap3A_64 = arith.constant 0 : index
    %swap3A_65 = arith.constant 640 : index
    %swap3A_66 = vector.load %arg4[%swap3A_64, %swap3A_65] : memref<1000x2048xbf16, #tpu.memory_space<vmem>>, vector<1000x128xbf16>
    tpu.vector_store %arg4[%swap3A_64, %swap3A_65], %convert_element_type3A_63 {strides = array<i32>} : memref<1000x2048xbf16, #tpu.memory_space<vmem>>, vector<1000x128xbf16>,
    %convert_element_type3A_67 = arith.truncf %sub3A_50 : vector<1000x128xf32> to vector<1000x128xbf16>
    %swap3A_68 = arith.constant 0 : index
    %swap3A_69 = arith.constant 1664 : index
    %swap3A_70 = vector.load %arg4[%swap3A_68, %swap3A_69] : memref<1000x2048xbf16, #tpu.memory_space<vmem>>, vector<1000x128xbf16>
    tpu.vector_store %arg4[%swap3A_68, %swap3A_69], %convert_element_type3A_67 {strides = array<i32>} : memref<1000x2048xbf16, #tpu.memory_space<vmem>>, vector<1000x128xbf16>,
    %mul3A_71 = arith.mulf %add3A, %sub3A_60 : vector<1000x128xf32>
    %sub3A_72 = arith.subf %mul3A_71, %sub3A_48 : vector<1000x128xf32>
    %mul3A_73 = arith.mulf %add3A, %sub3A_62 : vector<1000x128xf32>
    %sub3A_74 = arith.subf %mul3A_73, %sub3A_50 : vector<1000x128xf32>
    %convert_element_type3A_75 = arith.truncf %sub3A_60 : vector<1000x128xf32> to vector<1000x128xbf16>
    %swap3A_76 = arith.constant 0 : index
    %swap3A_77 = arith.constant 768 : index
    %swap3A_78 = vector.load %arg4[%swap3A_76, %swap3A_77] : memref<1000x2048xbf16, #tpu.memory_space<vmem>>, vector<1000x128xbf16>
    tpu.vector_store %arg4[%swap3A_76, %swap3A_77], %convert_element_type3A_75 {strides = array<i32>} : memref<1000x2048xbf16, #tpu.memory_space<vmem>>, vector<1000x128xbf16>,
    %convert_element_type3A_79 = arith.truncf %sub3A_62 : vector<1000x128xf32> to vector<1000x128xbf16>
    %swap3A_80 = arith.constant 0 : index
    %swap3A_81 = arith.constant 1792 : index
    %swap3A_82 = vector.load %arg4[%swap3A_80, %swap3A_81] : memref<1000x2048xbf16, #tpu.memory_space<vmem>>, vector<1000x128xbf16>
    tpu.vector_store %arg4[%swap3A_80, %swap3A_81], %convert_element_type3A_79 {strides = array<i32>} : memref<1000x2048xbf16, #tpu.memory_space<vmem>>, vector<1000x128xbf16>,
    %convert_element_type3A_83 = arith.truncf %sub3A_72 : vector<1000x128xf32> to vector<1000x128xbf16>
    %swap3A_84 = arith.constant 0 : index
    %swap3A_85 = arith.constant 896 : index
    %swap3A_86 = vector.load %arg4[%swap3A_84, %swap3A_85] : memref<1000x2048xbf16, #tpu.memory_space<vmem>>, vector<1000x128xbf16>
    tpu.vector_store %arg4[%swap3A_84, %swap3A_85], %convert_element_type3A_83 {strides = array<i32>} : memref<1000x2048xbf16, #tpu.memory_space<vmem>>, vector<1000x128xbf16>,
    %convert_element_type3A_87 = arith.truncf %sub3A_74 : vector<1000x128xf32> to vector<1000x128xbf16>
    %swap3A_88 = arith.constant 0 : index
    %swap3A_89 = arith.constant 1920 : index
    %swap3A_90 = vector.load %arg4[%swap3A_88, %swap3A_89] : memref<1000x2048xbf16, #tpu.memory_space<vmem>>, vector<1000x128xbf16>
    tpu.vector_store %arg4[%swap3A_88, %swap3A_89], %convert_element_type3A_87 {strides = array<i32>} : memref<1000x2048xbf16, #tpu.memory_space<vmem>>, vector<1000x128xbf16>,
    %get3A_91 = arith.constant 0 : index
    %get3A_92 = arith.constant 0 : index
    %get3A_93 = vector.load %arg4[%get3A_91, %get3A_92] : memref<1000x2048xbf16, #tpu.memory_space<vmem>>, vector<1000x2048xbf16>
    %get3A_94 = arith.constant 0 : index
    %get3A_95 = arith.constant 0 : index
    %get3A_96 = vector.load %arg2[%get3A_94, %get3A_95] : memref<2048x128xbf16, #tpu.memory_space<vmem>>, vector<2048x128xbf16>
    %dot_general3A = arith.constant dense<0.000000e+00> : vector<1000x128xf32>
    %dot_general3A_97 = tpu.matmul %get3A_93, %get3A_96, %dot_general3A {dimension_numbers = #tpu.dot_dimension_numbers<[1], [0], [0], [1], [0, 0, 1, 1], [], []>, transpose_lhs_hint = false} : vector<1000x2048xbf16>, vector<2048x128xbf16>, vector<1000x128xf32> -> vector<1000x128xf32>
    %swap3A_98 = arith.constant 0 : index
    %swap3A_99 = arith.constant 0 : index
    %swap3A_100 = vector.load %arg3[%swap3A_98, %swap3A_99] : memref<1000x128xf32, #tpu.memory_space<vmem>>, vector<1000x128xf32>
    tpu.vector_store %arg3[%swap3A_98, %swap3A_99], %dot_general3A_97 {strides = array<i32>} : memref<1000x128xf32, #tpu.memory_space<vmem>>, vector<1000x128xf32>,
    return
  }
  func.func @transform_0(%arg0: i32) -> (i32, i32) {
    %c0_i32 = arith.constant 0 : i32
    %c0_i32_0 = arith.constant 0 : i32
    return %arg0, %c0_i32 : i32, i32
  }
  func.func @transform_1(%arg0: i32) -> (i32, i32) {
    %c0_i32 = arith.constant 0 : i32
    %c0_i32_0 = arith.constant 0 : i32
    %c0_i32_1 = arith.constant 0 : i32
    return %c0_i32, %c0_i32_0 : i32, i32
  }
  func.func @transform_2(%arg0: i32) -> (i32, i32) {
    %c0_i32 = arith.constant 0 : i32
    %c0_i32_0 = arith.constant 0 : i32
    return %arg0, %c0_i32 : i32, i32
  }
}

module attributes {stable_mosaic.version = 14 : i64} {
  func.func @body(%arg0: i32, %arg1: memref<2x1000x128xf32, #tpu.memory_space<vmem>>, %arg2: memref<1x128xf32, #tpu.memory_space<vmem>>, %arg3: memref<1000x128xf32, #tpu.memory_space<vmem>>) attributes {dimension_semantics = [#tpu.dimension_semantics<arbitrary>], iteration_bounds = array<i64: 10>, scalar_prefetch = 0 : i64, scratch_operands = 0 : i64, tpu.core_type = #tpu.core_type<tc>, window_params = [{transform_indices = @transform_0, window_bounds = array<i64: 2, 1000, 128>}, {pipeline_mode = #tpu.pipeline_mode<synchronous>, transform_indices = @transform_1, window_bounds = array<i64: 1, 128>}, {transform_indices = @transform_2, window_bounds = array<i64: 1000, 128>}]} {
    %get3A = arith.constant 0 : index
    %get3A_0 = arith.constant 0 : index
    %get3A_1 = arith.constant 0 : index
    %get3A_2 = vector.load %arg1[%get3A, %get3A_0, %get3A_1] : memref<2x1000x128xf32, #tpu.memory_space<vmem>>, vector<1x1000x128xf32>
    %get3A_3 = vector.shape_cast %get3A_2 : vector<1x1000x128xf32> to vector<1000x128xf32>
    %get3A_4 = arith.constant 1 : index
    %get3A_5 = arith.constant 0 : index
    %get3A_6 = arith.constant 0 : index
    %get3A_7 = vector.load %arg1[%get3A_4, %get3A_5, %get3A_6] : memref<2x1000x128xf32, #tpu.memory_space<vmem>>, vector<1x1000x128xf32>
    %get3A_8 = vector.shape_cast %get3A_7 : vector<1x1000x128xf32> to vector<1000x128xf32>
    %add3A = arith.addf %get3A_3, %get3A_8 : vector<1000x128xf32>
    %get3A_9 = arith.constant 0 : index
    %get3A_10 = arith.constant 0 : index
    %get3A_11 = vector.load %arg2[%get3A_9, %get3A_10] : memref<1x128xf32, #tpu.memory_space<vmem>>, vector<1x128xf32>
    %add3A_12 = vector.broadcast %get3A_11 : vector<1x128xf32> to vector<1000x128xf32>
    %add3A_13 = arith.addf %add3A, %add3A_12 : vector<1000x128xf32>
    %swap3A = arith.constant 0 : index
    %swap3A_14 = arith.constant 0 : index
    %swap3A_15 = vector.load %arg3[%swap3A, %swap3A_14] : memref<1000x128xf32, #tpu.memory_space<vmem>>, vector<1000x128xf32>
    tpu.vector_store %arg3[%swap3A, %swap3A_14], %add3A_13 {strides = array<i32>} : memref<1000x128xf32, #tpu.memory_space<vmem>>, vector<1000x128xf32>,
    return
  }
  func.func @transform_0(%arg0: i32) -> (i32, i32, i32) {
    %c0_i32 = arith.constant 0 : i32
    %c0_i32_0 = arith.constant 0 : i32
    %c0_i32_1 = arith.constant 0 : i32
    return %c0_i32, %arg0, %c0_i32_0 : i32, i32, i32
  }
  func.func @transform_1(%arg0: i32) -> (i32, i32) {
    %c0_i32 = arith.constant 0 : i32
    %c0_i32_0 = arith.constant 0 : i32
    %c0_i32_1 = arith.constant 0 : i32
    return %c0_i32, %c0_i32_0 : i32, i32
  }
  func.func @transform_2(%arg0: i32) -> (i32, i32) {
    %c0_i32 = arith.constant 0 : i32
    %c0_i32_0 = arith.constant 0 : i32
    return %arg0, %c0_i32 : i32, i32
  }
}

</mosaic_0001>

<sc_bundles>
// kernel: kernel.5.cloned.1.call-start
scs
__scs_entry_jumppad:
0x0: {  	(pc) =	sbr.rel $0x88, $3  }
0x1: {  	(tag) =	ssettag $0x0;
	lr =	simm.s32 $0x1  }
0x2: {  	[smem:$0x3F9D] =	sst lr;
	_ =	strace $0xD0000000  }
0x3: {  	_ = 	snop  }
0x4: {  	_ = 	snop  }
0x5: {  	_ = 	snop  }
0x6: {  	_ = 	snop  }
0x7: {  	_ = 	snop  }
__scs_overlays_trampoline_lowered:
0x8: {  	[smem:$0x3FAC] =	sst s0  }
0x9: {  	[smem:$0x3FAD] =	sst s1  }
0xa: {  	[smem:$0x3FAE] =	sst s2  }
0xb: {  	[smem:$0x3FAF] =	sst s3  }
0xc: {  	[smem:$0x3FB0] =	sst s4  }
0xd: {  	[smem:$0x3FB1] =	sst s5  }
0xe: {  	[smem:$0x3FB2] =	sst s6  }
0xf: {  	[smem:$0x3FB3] =	sst s7  }
0x10: {  	[smem:$0x3FB4] =	sst s8  }
0x11: {  	[smem:$0x3FB5] =	sst s9;
	s0 =	simm.s32 @!p0 $0x0  }
0x12: {  	s1 =	sld [smem:$0x3F9B];
	s0 =	simm.s32 @p0 $0x1  }
0x13: {  	[smem:$0x3FB6] =	sst s0;
	s0 =	simm.s32 @!p1 $0x0  }
0x14: {  	s2 =	sld [smem:$0x3F9A];
	s0 =	simm.s32 @p1 $0x1  }
0x15: {  	[smem:$0x3FB7] =	sst s0;
	s0 =	simm.s32 @!p2 $0x0  }
0x16: {  	s3 =	sld [smem:$0x3FDB];
	s0 =	simm.s32 @p2 $0x1  }
0x17: {  	s4 =	simm.s32 $0x1BF5;
	[smem:$0x3FB9] =	sst s0  }
0x18: {  	s0 =	sld [smem:$0x3F9C];
	_ =	swait.ge [sflag:s4], $0x0  }
0x19: {  	s7 =	sld [smem:$0x3F9D]  }
0x1a: {  	s8 =	sadd.s32 $0xFFFFE003, lr  }
0x1b: {  	s9 =	sadd.s32 $0xFFFFFEF7, lr;
	s5 =	simm.s32 $0xFFFFFFFF;
	p2 =	slt.u32 s8, $0xFFFFF086  }
0x1c: {  	p1 =	slt.u32 s9, $0xF7A;
	s5 =	simm.s32 @!p2 $0x0  }
0x1d: {  	s5 =	simm.s32 @p1 $0x1;
	p0 =	seq.s32 s7, s2  }
0x1e: {  	s7 =	smul.u32 @!p0 $0xF7A, s2;
	p2 =	seq.s32 @!p0 s5, $0x0  }
0x1f: {  	s9 =	smul.u32 $0xF7A, s1;
	s8 =	simm.s32 @!p0 $0x1BF5;
	p2 =	por !p2, p0  }
0x20: {  	[sflag:s8] =	ssyncset.s32 @!p0 $0xFFFFF086;
	s6 =	sadd.s32 @!p0 s3, s7;
	s7 =	simm.s32 @!p0 $0x108  }
0x21: {  	s3 =	sadd.s32 s3, s9;
	s6 =	sadd.s32 @!p0 $0x88, s6;
	s7 =	simm.s32 @p2 $0x1082  }
0x22: {  	[simem:s7], [sflag:s8] =	dma.local @!p0 [hbm:s6], $0xF7A  }
0x23: {  	s9 =	sor.u32 $0xD0000000, s2;
	s6 =	simm.s32 $0x108;
	_ =	swait.ge @!p0 [sflag:s8], $0x0  }
0x24: {  	s3 =	sadd.s32 $0x88, s3;
	s6 =	simm.s32 @!p1 $0x1082;
	[sflag:s4] =	ssyncset.s32 $0xFFFFF086  }
0x25: {  	[simem:s6], [sflag:s4] =	dma.local [hbm:s3], $0xF7A  }
0x26: {  	[smem:$0x3F9D] =	sst s1;
	(tag) =	ssettag s2;
	_ =	strace s9  }
0x27: {  	s1 =	sld [smem:$0x3FAD]  }
0x28: {  	s2 =	sld [smem:$0x3FAE]  }
0x29: {  	s4 =	sld [smem:$0x3FB0]  }
0x2a: {  	p0 =	seq.s32 s5, $0x0;
	s5 =	sld [smem:$0x3FB1]  }
0x2b: {  	s6 =	sld [smem:$0x3FB2]  }
0x2c: {  	s7 =	sld [smem:$0x3FB3]  }
0x2d: {  	s3 =	simm.s32 $0x108;
	s8 =	sld [smem:$0x3FB4]  }
0x2e: {  	s3 =	simm.s32 @!p0 $0x1082;
	s9 =	sld [smem:$0x3FB5]  }
0x2f: {  	lr =	sadd.s32 s0, s3;
	s0 =	sld [smem:$0x3FAC]  }
0x30: {  	s3 =	sld [smem:$0x3FAF]  }
0x31: {  	[smem:$0x3FB8] =	sst s10  }
0x32: {  	s10 =	sld [smem:$0x3FB6];
	_ =	sdelay $0x3  }
0x33: {  	p0 =	seq.s32 s10, $0x1;
	s10 =	sld [smem:$0x3FB8];
	_ =	sdelay $0x3  }
0x34: {  	[smem:$0x3FB8] =	sst s10  }
0x35: {  	s10 =	sld [smem:$0x3FB7];
	_ =	sdelay $0x3  }
0x36: {  	p1 =	seq.s32 s10, $0x1;
	s10 =	sld [smem:$0x3FB8];
	_ =	sdelay $0x3  }
0x37: {  	[smem:$0x3FB8] =	sst s10  }
0x38: {  	s10 =	sld [smem:$0x3FB9]  }
0x39: {  	_ = 	snop;
	(pc) =	sbr.ind lr, $3  }
0x3a: {  	_ = 	snop  }
0x3b: {  	_ = 	snop  }
0x3c: {  	p2 =	seq.s32 s10, $0x1;
	s10 =	sld [smem:$0x3FB8]  }
0x3d: {  	_ =	shalt  }
0x3e: {  	_ =	shalt  }
0x3f: {  	_ =	shalt  }
0x40: {  	_ =	shalt  }
0x41: {  	_ =	shalt  }
0x42: {  	_ =	shalt  }
0x43: {  	_ =	shalt  }
0x44: {  	_ =	shalt  }
0x45: {  	_ =	shalt  }
0x46: {  	_ =	shalt  }
0x47: {  	_ =	shalt  }
0x48: {  	_ =	shalt  }
0x49: {  	_ =	shalt  }
0x4a: {  	_ =	shalt  }
0x4b: {  	_ =	shalt  }
0x4c: {  	_ =	shalt  }
0x4d: {  	_ =	shalt  }
0x4e: {  	_ =	shalt  }
0x4f: {  	_ =	shalt  }
0x50: {  	_ =	shalt  }
0x51: {  	_ =	shalt  }
0x52: {  	_ =	shalt  }
0x53: {  	_ =	shalt  }
0x54: {  	_ =	shalt  }
0x55: {  	_ =	shalt  }
0x56: {  	_ =	shalt  }
0x57: {  	_ =	shalt  }
0x58: {  	_ =	shalt  }
0x59: {  	_ =	shalt  }
0x5a: {  	_ =	shalt  }
0x5b: {  	_ =	shalt  }
0x5c: {  	_ =	shalt  }
0x5d: {  	_ =	shalt  }
0x5e: {  	_ =	shalt  }
0x5f: {  	_ =	shalt  }
0x60: {  	_ =	shalt  }
0x61: {  	_ =	shalt  }
0x62: {  	_ =	shalt  }
0x63: {  	_ =	shalt  }
0x64: {  	_ =	shalt  }
0x65: {  	_ =	shalt  }
0x66: {  	_ =	shalt  }
0x67: {  	_ =	shalt  }
0x68: {  	_ =	shalt  }
0x69: {  	_ =	shalt  }
0x6a: {  	_ =	shalt  }
0x6b: {  	_ =	shalt  }
0x6c: {  	_ =	shalt  }
0x6d: {  	_ =	shalt  }
0x6e: {  	_ =	shalt  }
0x6f: {  	_ =	shalt  }
0x70: {  	_ =	shalt  }
0x71: {  	_ =	shalt  }
0x72: {  	_ =	shalt  }
0x73: {  	_ =	shalt  }
0x74: {  	_ =	shalt  }
0x75: {  	_ =	shalt  }
0x76: {  	_ =	shalt  }
0x77: {  	_ =	shalt  }
0x78: {  	_ =	shalt  }
0x79: {  	_ =	shalt  }
0x7a: {  	_ =	shalt  }
0x7b: {  	_ =	shalt  }
0x7c: {  	_ =	shalt  }
0x7d: {  	_ =	shalt  }
0x7e: {  	_ =	shalt  }
0x7f: {  	_ =	shalt  }
0x80: {  	_ =	shalt  }
0x81: {  	_ =	shalt  }
0x82: {  	_ =	shalt  }
0x83: {  	_ =	shalt  }
0x84: {  	_ =	shalt  }
0x85: {  	_ =	shalt  }
0x86: {  	_ =	shalt  }
0x87: {  	_ =	shalt  }
.Lfunc_end0:
.L_simem_size_0:
called_computation_lowered:
.L_overlay_start_0:
0x88: {  	s2 =	sld [smem:$0x3FD9]  }
0x89: {  	s3 =	sld [smem:$0x3FFE];
	_ =	sdelay $0x1  }
0x8a: {  	s1 =	srdreg.scid  }
0x8b: {  	s0 =	sand.u32 $0x1, s1  }
0x8c: {  	s17 =	sshll.u32 s0, $0xA;
	s2 =	sadd.s32 s3, s2  }
0x8d: {  	s2 =	sadd.s32 s2, s17  }
0x8e: {  	[smem:$0x3FC4] =	sst s2  }
0x8f: {  	_ = 	snop  }
0x90: {  	s2 =	sld [smem:$0x3FD0];
	(tm) =	ssettm $0x1  }
0x91: {  	s18 =	sld [smem:$0x3FFB];
	_ =	sdelay $0x3  }
0x92: {  	_ =	strace s18  }
0x93: {  	s3 =	sld [smem:$0x3FFC];
	_ =	sdelay $0x3  }
0x94: {  	_ =	strace s3  }
0x95: {  	s3 =	sld [smem:$0x3FFD];
	_ =	sdelay $0x3  }
0x96: {  	_ =	strace s3  }
0x97: {  	_ =	strace $0x8FFFFFFF  }
0x98: {  	s19 =	sld [smem:$0x3FDB];
	_ =	sdelay $0x1  }
0x99: {  	s4 =	simm.s32 $_scs_section_size  }
0x9a: {  	s5 =	simm.s32 $_size__tile_overlayer_lowered;
	s6 =	simm.s32 $_tile_overlayer_lowered  }
0x9b: {  	s22 =	simm.s32 $0x1BFF;
	s21 =	sshll.u32 s6, $0x1;
	s3 =	sadd.s32 s4, s19  }
0x9c: {  	s7 =	simm.s32 $0x0;
	s20 =	sshll.u32 s5, $0x1;
	s5 =	sadd.s32 s21, s3  }
0x9d: {  	[timem:s7], [sflag:s22] =	dma.local [hbm:s5], s20  }
0x9e: {  	_ =	swait.ge [sflag:s22], s20  }
0x9f: {  	s4 =	ssub.s32 $0x0, s20;
	[sflag:s22] =	ssyncset.done $0x0  }
0xa0: {  	[sflag:s22] =	ssyncadd.s32 s4;
	_ =	sdelay $0x1  }
0xa1: {  	s23 =	simm.s32 $0x1B8B  }
0xa2: {  	_ =	swait.ge [sflag:s23], $0x1  }
0xa3: {  	[sflag:s23] =	ssyncset.done $0x0  }
0xa4: {  	s25 =	simm.s32 $0x1B8E;
	s24 =	sld [smem:$0x3FFE];
	[sflag:s23] =	ssyncadd.s32 $0xFFFFFFFF  }
0xa5: {  	s26 =	simm.s32 $execute0_lowered;
	[smem:$0x3FD2] =	sst s25  }
0xa6: {  	s5 =	sshll.u32 s26, $0x1;
	_ =	strace $0x80000046;
	[dreg:$0x1] =	wrdreg $0xFFFFFFFF  }
0xa7: {  	s28 =	simm.s32 $_size_execute0_lowered;
	s3 =	sadd.s32 s3, s5;
	[dreg:$0x0] =	wrdreg $0x0  }
0xa8: {  	s5 =	sshll.u32 s28, $0x1;
	[dreg:$0x2] =	wrdreg s3  }
0xa9: {  	[dreg:$0x3] =	wrdreg s5  }
0xaa: {  	[dreg:$0x4] =	wrdreg $0xC0  }
0xab: {  	_ =	task [dreg:s7], $0x5FFFF  }
0xac: {  	[dreg:$0x1] =	wrdreg $0xFFFFFFFF  }
0xad: {  	[dreg:$0x0] =	wrdreg $0x60  }
0xae: {  	[dreg:$0x2] =	wrdreg s2  }
0xaf: {  	[dreg:$0x3] =	wrdreg s24  }
0xb0: {  	[dreg:$0x4] =	wrdreg $0xB5000  }
0xb1: {  	[dreg:$0x5] =	wrdreg $0x9  }
0xb2: {  	_ =	task.clear_ibuf [dreg:s7], $0x6FFFF;
	_ =	strace $0x90000046  }
0xb3: {  	s29 =	simm.s32 $0x9;
	_ =	strace $0x80000048  }
0xb4: {  	_ =	swait.ge [sflag:s29], $0x1  }
0xb5: {  	[sflag:s29] =	ssyncadd.s32 $0xFFFFFFFF  }
0xb6: {  	_ =	strace $0x90000048  }
0xb7: {  	_ =	sfence  }
0xb8: {  	s30 =	sld [smem:$0x0];
	_ =	sdelay $0x2  }
0xb9: {  	s31 =	sshll.u32 s1, $0xD;
	s1 =	sshrl.u32 s1, $0x2  }
0xba: {  	s3 =	sand.u32 $0x4000, s31;
	s1 =	sadd.s32 s1, s30  }
0xbb: {  	s0 =	sor.u32 s3, s0;
	s1 =	sshll.u32 s1, $0x11  }
0xbc: {  	s0 =	sor.u32 s1, s0  }
0xbd: {  	s0 =	sadd.s32 $0x8F2B, s0  }
0xbe: {  	[sflag:s0] =	ssyncadd.remote.s32 $0x1  }
0xbf: {  	_ =	sfence.sel $0xFFFF  }
0xc0: {  	[dreg:$0x0] =	wrdreg $0xFFFFFFFF;
	(pc) =	sbr.abs _section_cstart, $3  }
0xc1: {  	[dreg:$0x1] =	wrdreg $0xFFFFFFFF  }
0xc2: {  	_ =	task.clear_ibuf [dreg:s7], $0x2FFFF;
	_ =	strace $0x9FFFFFFF  }
0xc3: {  	(tm) =	ssettm $0x7FFFFFFF  }
tec
execute0_lowered:
.L_overlay_start_1:
0x0: {  	(tag) =	ssettag $0x1  }
0x1: {  	s1 =	rddreg [dreg:$0x0]  }
0x2: {  	s0 =	rddreg [dreg:$0x1]  }
0x3: {  	s2 =	rddreg [dreg:$0x2]  }
0x4: {  	s3 =	srdreg.scid;
	s4 =	simm.s32 $0x0;
	s16 =	stileid.u32  }
0x5: {  	s17 =	simm.s32 $0x1A00;
	s18 =	simm.s32 $0x5;
	s28 =	simm.s32 $0x3  }
0x6: {  	s29 =	simm.s32 $0x4;
	s30 =	simm.s32 $0xC80;
	s31 =	simm.s32 $0x2600  }
0x7: {  	s3 =	sand.u32 $0x1, s3;
	[smem:$0x7FF] =	sst s4;
	s14 =	sadd.s32 $0xAE00, s0  }
0x8: {  	s15 =	sadd.s32 $0x1000, s0;
	s8 =	smul.u32 $0x4E000, s16;
	s9 =	sadd.s32 $0x14C00, s0  }
0x9: {  	s23 =	sshll.u32 s16, $0x6;
	s25 =	sshll.u32 s16, $0x4;
	s26 =	smul.u32 $0x2700, s16  }
0xa: {  	s5 =	sshll.u32 s3, $0x4;
	s6 =	smul.u32 $0x27100, s3;
	_ =	strace $0x80000047  }
0xb: {  	s3 =	ssub.s32 $0x2, s3;
	[dreg:$0x4] =	wrdreg s9;
	s5 =	sor.u32 s16, s5  }
0xc: {  	s9 =	sor.u32 $0x1C05, s23;
	s23 =	simm.s32 $0xD00;
	s7 =	smul.u32 $0x4E0, s5  }
0xd: {  	s19 =	sshrl.u32 s3, $0x1;
	s22 =	sshrl.u32 s8, $0x2;
	s10 =	smul.u32 $0x2700, s5  }
0xe: {  	s0 =	sadd.s32 s6, s0;
	s3 =	ssub.s32 s3, s19;
	s6 =	sadd.s32 s22, s2  }
0xf: {  	s19 =	simm.s32 $0x1;
	s22 =	simm.s32 $0x3500;
	p0 =	sgt.u32 s5, $0x3  }
0x10: {  	[dreg:$0x7] =	wrdreg s6;
	s6 =	sor.u32 $0x9C00, s25;
	s0 =	sadd.s32 $0x17400, s0  }
0x11: {  	s16 =	smax.u32 s3, $0x1;
	s25 =	simm.s32 $0x0;
	s20 =	sadd.s32 s14, s7  }
0x12: {  	s21 =	sadd.s32 s15, s7;
	s12 =	sshrl.u32 s10, $0x3;
	[dreg:$0x5] =	wrdreg s20  }
0x13: {  	[dreg:$0x6] =	wrdreg s21;
	s11 =	sadd.s32 $0x1A0, s12;
	s13 =	sadd.s32 $0x340, s12  }
0x14: {  	s20 =	simm.s32 $0x2;
	s21 =	simm.s32 $0x80;
	s24 =	sadd.s32 s14, s11  }
0x15: {  	s11 =	sadd.s32 s15, s11;
	s12 =	sadd.s32 s14, s13;
	s13 =	sadd.s32 s15, s13  }
0x16: {  	s14 =	sadd.s32 s14, s6;
	s15 =	sadd.s32 s15, s6;
	[dreg:$0x8] =	wrdreg s24  }
0x17: {  	s24 =	sadd.s32 s26, s0;
	s26 =	simm.s32 $0x7500;
	s0 =	simm.s32 $0x2680  }
.LBB2_1:
0x18: {  	s3 =	rddreg [dreg:$0x5]  }
0x19: {  	s6 =	rddreg [dreg:$0x6]  }
0x1a: {  	s7 =	rddreg [dreg:$0x7]  }
0x1b: {  	[tilespmem:s4], [sflag:$0x1] =	stream.linear.gather [hbm4b:s3+s4], $0xD00, $0x38;
	[tilespmem:$0x1ED80] =	vst v63  }
0x1c: {  	s5 =	rddreg [dreg:$0x4];
	s3 =	sshrl.u32 s7, $0x3  }
0x1d: {  	[tilespmem:s17], [sflag:$0x2] =	stream.linear.gather [hbm4b:s6+s4], $0xD00, $0x38;
	[tilespmem:$0x1ED80] =	vst v63  }
0x1e: {  	[spmem:s3], [sflag:s9] =	dma.local [hbm:s5], $0x2800  }
0x1f: {  	_ =	swait.ge [sflag:s18], $0x2800  }
0x20: {  	[sflag:s18] =	ssyncset.done $0x0  }
0x21: {  	[sflag:s18] =	ssyncadd.s32 $0xFFFFD800  }
0x22: {  	_ =	swait.ge [sflag:s19], $0xD00  }
0x23: {  	[sflag:s19] =	ssyncset.done $0x0  }
0x24: {  	[sflag:s19] =	ssyncadd.s32 $0xFFFFF300  }
0x25: {  	_ =	swait.ge [sflag:s20], $0xD00  }
0x26: {  	[sflag:s20] =	ssyncset.done $0x0  }
0x27: {  	[sflag:s20] =	ssyncadd.s32 $0xFFFFF300  }
0x28: {  	[tilespmem:s22], [sflag:$0x3] =	stream.indirect.gather [hbm4b:s1+s21], $0x80, s4, s21, $0xb8;
	[tilespmem:$0x1ED80] =	vst v63  }
0x29: {  	[bflag:$0x0] =	sbarrier.arrive $0xFFFF  }
0x2a: {  	s8 =	rddreg [dreg:$0x8]  }
0x2b: {  	[tilespmem:s23], [sflag:$0x1] =	stream.linear.gather [hbm4b:s8+s4], $0xD00, $0x38;
	[tilespmem:$0x1ED80] =	vst v63  }
0x2c: {  	s10 =	simm.s32 $0x2700  }
0x2d: {  	[tilespmem:s10], [sflag:$0x2] =	stream.linear.gather [hbm4b:s11+s4], $0xD00, $0x38;
	[tilespmem:$0x1ED80] =	vst v63  }
0x2e: {  	s6 =	simm.s32 $0x80  }
0x2f: {  	[tilespmem:s26], [sflag:$0x4] =	stream.indirect.gather [hbm4b:s1+s21], $0x80, s6, s21, $0xb8;
	[tilespmem:$0x1ED80] =	vst v63  }
0x30: {  	_ =	swait.ge [sflag:s28], $0x4000  }
0x31: {  	[sflag:s28] =	ssyncset.done $0x0  }
0x32: {  	s7 =	simm.s32 $0x1A00;
	[sflag:s28] =	ssyncadd.s32 $0xFFFFC000  }
0x33: {  	[spmem:s2] =	stream.indirect.scatter.add.f32 [tilespmem:s22], [sflag:$0x5], $0x80, s7, s21, $0xb8;
	[tilespmem:$0x1ED80] =	vst v63  }
0x34: {  	_ =	swait.ge [sflag:s18], $0x4000  }
0x35: {  	[sflag:s18] =	ssyncset.done $0x0  }
0x36: {  	s8 =	simm.s32 $0x100;
	[sflag:s18] =	ssyncadd.s32 $0xFFFFC000  }
0x37: {  	[tilespmem:s22], [sflag:$0x3] =	stream.indirect.gather [hbm4b:s1+s21], $0x80, s8, s21, $0xb8;
	[tilespmem:$0x1ED80] =	vst v63  }
0x38: {  	_ =	swait.ge [sflag:s29], $0x4000  }
0x39: {  	[sflag:s29] =	ssyncset.done $0x0  }
0x3a: {  	s10 =	simm.s32 $0x1A80;
	[sflag:s29] =	ssyncadd.s32 $0xFFFFC000  }
0x3b: {  	[spmem:s2] =	stream.indirect.scatter.add.f32 [tilespmem:s26], [sflag:$0x5], $0x80, s10, s21, $0xb8;
	[tilespmem:$0x1ED80] =	vst v63  }
0x3c: {  	_ =	swait.ge [sflag:s18], $0x4000  }
0x3d: {  	s5 =	simm.s32 $0x100;
	s6 =	simm.s32 $0x800;
	[sflag:s18] =	ssyncset.done $0x0  }
.LBB2_2:
0x3e: {  	s7 =	sadd.s32 $0x80, s5  }
0x3f: {  	[sflag:s18] =	ssyncadd.s32 $0xFFFFC000;
	s8 =	smov.u32 s6;
	s10 =	sadd.s32 $0x400, s6  }
0x40: {  	[tilespmem:s26], [sflag:$0x4] =	stream.indirect.gather [hbm4b:s1+s21], $0x80, s7, s21, $0xb8;
	[tilespmem:$0x1ED80] =	vst v63  }
0x41: {  	p1 =	sne.s32 s6, $0x2C00;
	_ =	swait.ge [sflag:s28], $0x4000  }
0x42: {  	[sflag:s28] =	ssyncset.done $0x0  }
0x43: {  	s6 =	sadd.s32 $0x1A00, s5;
	[sflag:s28] =	ssyncadd.s32 $0xFFFFC000  }
0x44: {  	[spmem:s2] =	stream.indirect.scatter.add.f32 [tilespmem:s22], [sflag:$0x5], $0x80, s6, s21, $0xb8;
	[tilespmem:$0x1ED80] =	vst v63  }
0x45: {  	_ =	swait.ge [sflag:s18], $0x4000  }
0x46: {  	[sflag:s18] =	ssyncset.done $0x0  }
0x47: {  	s6 =	sadd.s32 $0x100, s5;
	[sflag:s18] =	ssyncadd.s32 $0xFFFFC000  }
0x48: {  	[tilespmem:s22], [sflag:$0x3] =	stream.indirect.gather [hbm4b:s1+s21], $0x80, s6, s21, $0xb8;
	[tilespmem:$0x1ED80] =	vst v63  }
0x49: {  	_ =	swait.ge [sflag:s29], $0x4000  }
.Ltmp0:
0x4a: {  	[sflag:s29] =	ssyncset.done $0x0;
	(pc) =	sbr.rel @p1 .LBB2_2-.Ltmp0, $4  }
0x4b: {  	s5 =	sadd.s32 $0x1A80, s5;
	[sflag:s29] =	ssyncadd.s32 $0xFFFFC000  }
0x4c: {  	[spmem:s2] =	stream.indirect.scatter.add.f32 [tilespmem:s26], [sflag:$0x5], $0x80, s5, s21, $0xb8;
	[tilespmem:$0x1ED80] =	vst v63  }
0x4d: {  	_ =	swait.ge [sflag:s18], $0x4000  }
0x4e: {  	s6 =	smov.u32 s10;
	s5 =	sshra.s32 s8, $0x2;
	[sflag:s18] =	ssyncset.done $0x0  }
0x4f: {  	s6 =	sadd.s32 $0x80, s5;
	[sflag:s18] =	ssyncadd.s32 $0xFFFFC000  }
0x50: {  	[tilespmem:s26], [sflag:$0x4] =	stream.indirect.gather [hbm4b:s1+s21], $0x80, s6, s21, $0xb8;
	[tilespmem:$0x1ED80] =	vst v63  }
0x51: {  	_ =	swait.ge [sflag:s28], $0x4000  }
0x52: {  	[sflag:s28] =	ssyncset.done $0x0  }
0x53: {  	s10 =	sadd.s32 $0x1A00, s5;
	[sflag:s28] =	ssyncadd.s32 $0xFFFFC000  }
0x54: {  	[spmem:s2] =	stream.indirect.scatter.add.f32 [tilespmem:s22], [sflag:$0x5], $0x80, s10, s21, $0xb8;
	[tilespmem:$0x1ED80] =	vst v63  }
0x55: {  	_ =	swait.ge [sflag:s18], $0x4000  }
0x56: {  	[sflag:s18] =	ssyncset.done $0x0  }
0x57: {  	s7 =	sadd.s32 $0x100, s5;
	[sflag:s18] =	ssyncadd.s32 $0xFFFFC000  }
0x58: {  	[tilespmem:s22], [sflag:$0x3] =	stream.indirect.gather [hbm4b:s1+s21], $0x80, s7, s21, $0xb8;
	[tilespmem:$0x1ED80] =	vst v63  }
0x59: {  	_ =	swait.ge [sflag:s29], $0x4000  }
0x5a: {  	[sflag:s29] =	ssyncset.done $0x0  }
0x5b: {  	s8 =	sadd.s32 $0x1A80, s5;
	[sflag:s29] =	ssyncadd.s32 $0xFFFFC000  }
0x5c: {  	[spmem:s2] =	stream.indirect.scatter.add.f32 [tilespmem:s26], [sflag:$0x5], $0x80, s8, s21, $0xb8;
	[tilespmem:$0x1ED80] =	vst v63  }
0x5d: {  	_ =	swait.ge [sflag:s18], $0x4000  }
0x5e: {  	[sflag:s18] =	ssyncset.done $0x0  }
0x5f: {  	[sflag:s18] =	ssyncadd.s32 $0xFFFFC000  }
0x60: {  	[tilespmem:s26], [sflag:$0x4] =	stream.indirect.gather [hbm4b:s1+s21], $0x80, s30, s21, $0xb8;
	[tilespmem:$0x1ED80] =	vst v63  }
0x61: {  	_ =	swait.ge [sflag:s28], $0x4000  }
0x62: {  	[sflag:s28] =	ssyncset.done $0x0  }
0x63: {  	[sflag:s28] =	ssyncadd.s32 $0xFFFFC000  }
0x64: {  	[spmem:s2] =	stream.indirect.scatter.add.f32 [tilespmem:s22], [sflag:$0x5], $0x80, s31, s21, $0xb8;
	[tilespmem:$0x1ED80] =	vst v63  }
0x65: {  	_ =	swait.ge [sflag:s18], $0x4000  }
0x66: {  	[sflag:s18] =	ssyncset.done $0x0  }
0x67: {  	[sflag:s18] =	ssyncadd.s32 $0xFFFFC000  }
0x68: {  	_ =	swait.ge [sflag:s29], $0x4000  }
0x69: {  	[sflag:s29] =	ssyncset.done $0x0  }
0x6a: {  	[sflag:s29] =	ssyncadd.s32 $0xFFFFC000  }
0x6b: {  	[spmem:s2] =	stream.indirect.scatter.add.f32 [tilespmem:s26], [sflag:$0x5], $0x80, s0, s21, $0xb8;
	[tilespmem:$0x1ED80] =	vst v63  }
0x6c: {  	_ =	swait.ge [sflag:s18], $0x4000  }
0x6d: {  	[sflag:s18] =	ssyncset.done $0x0  }
0x6e: {  	[sflag:s18] =	ssyncadd.s32 $0xFFFFC000  }
0x6f: {  	_ =	swait.ge [sflag:s19], $0xD00  }
0x70: {  	[sflag:s19] =	ssyncset.done $0x0  }
0x71: {  	[sflag:s19] =	ssyncadd.s32 $0xFFFFF300  }
0x72: {  	_ =	swait.ge [sflag:s20], $0xD00  }
0x73: {  	[sflag:s20] =	ssyncset.done $0x0  }
0x74: {  	s10 =	simm.s32 $0x0;
	[sflag:s20] =	ssyncadd.s32 $0xFFFFF300  }
0x75: {  	[tilespmem:s10], [sflag:$0x1] =	stream.linear.gather [hbm4b:s12+s10], $0xD00, $0x38;
	[tilespmem:$0x1ED80] =	vst v63  }
0x76: {  	_ = 	snop  }
0x77: {  	[tilespmem:s17], [sflag:$0x2] =	stream.linear.gather [hbm4b:s13+s10], $0xD00, $0x38;
	[tilespmem:$0x1ED80] =	vst v63  }
0x78: {  	_ = 	snop  }
0x79: {  	[tilespmem:s22], [sflag:$0x3] =	stream.indirect.gather [hbm4b:s1+s21], $0x80, s23, s21, $0xb8;
	[tilespmem:$0x1ED80] =	vst v63  }
0x7a: {  	s6 =	simm.s32 $0xD80  }
0x7b: {  	[tilespmem:s26], [sflag:$0x4] =	stream.indirect.gather [hbm4b:s1+s21], $0x80, s6, s21, $0xb8;
	[tilespmem:$0x1ED80] =	vst v63  }
0x7c: {  	_ =	swait.ge [sflag:s28], $0x4000  }
0x7d: {  	[sflag:s28] =	ssyncset.done $0x0  }
0x7e: {  	s7 =	simm.s32 $0x2700;
	[sflag:s28] =	ssyncadd.s32 $0xFFFFC000  }
0x7f: {  	[spmem:s2] =	stream.indirect.scatter.add.f32 [tilespmem:s22], [sflag:$0x5], $0x80, s7, s21, $0xb8;
	[tilespmem:$0x1ED80] =	vst v63  }
0x80: {  	_ =	swait.ge [sflag:s18], $0x4000  }
0x81: {  	[sflag:s18] =	ssyncset.done $0x0  }
0x82: {  	s8 =	simm.s32 $0xE00;
	[sflag:s18] =	ssyncadd.s32 $0xFFFFC000  }
0x83: {  	[tilespmem:s22], [sflag:$0x3] =	stream.indirect.gather [hbm4b:s1+s21], $0x80, s8, s21, $0xb8;
	[tilespmem:$0x1ED80] =	vst v63  }
0x84: {  	_ =	swait.ge [sflag:s29], $0x4000  }
0x85: {  	[sflag:s29] =	ssyncset.done $0x0  }
0x86: {  	s10 =	simm.s32 $0x2780;
	[sflag:s29] =	ssyncadd.s32 $0xFFFFC000  }
0x87: {  	[spmem:s2] =	stream.indirect.scatter.add.f32 [tilespmem:s26], [sflag:$0x5], $0x80, s10, s21, $0xb8;
	[tilespmem:$0x1ED80] =	vst v63  }
0x88: {  	_ =	swait.ge [sflag:s18], $0x4000  }
0x89: {  	s5 =	simm.s32 $0x100;
	s6 =	simm.s32 $0x800;
	[sflag:s18] =	ssyncset.done $0x0  }
.LBB2_4:
0x8a: {  	s7 =	sadd.s32 $0xD80, s5  }
0x8b: {  	[sflag:s18] =	ssyncadd.s32 $0xFFFFC000;
	s8 =	smov.u32 s6;
	s10 =	sadd.s32 $0x400, s6  }
0x8c: {  	[tilespmem:s26], [sflag:$0x4] =	stream.indirect.gather [hbm4b:s1+s21], $0x80, s7, s21, $0xb8;
	[tilespmem:$0x1ED80] =	vst v63  }
0x8d: {  	p1 =	sne.s32 s6, $0x2C00;
	_ =	swait.ge [sflag:s28], $0x4000  }
0x8e: {  	[sflag:s28] =	ssyncset.done $0x0  }
0x8f: {  	s6 =	sadd.s32 $0x2700, s5;
	[sflag:s28] =	ssyncadd.s32 $0xFFFFC000  }
0x90: {  	[spmem:s2] =	stream.indirect.scatter.add.f32 [tilespmem:s22], [sflag:$0x5], $0x80, s6, s21, $0xb8;
	[tilespmem:$0x1ED80] =	vst v63  }
0x91: {  	_ =	swait.ge [sflag:s18], $0x4000  }
0x92: {  	[sflag:s18] =	ssyncset.done $0x0  }
0x93: {  	s6 =	sadd.s32 $0xE00, s5;
	[sflag:s18] =	ssyncadd.s32 $0xFFFFC000  }
0x94: {  	[tilespmem:s22], [sflag:$0x3] =	stream.indirect.gather [hbm4b:s1+s21], $0x80, s6, s21, $0xb8;
	[tilespmem:$0x1ED80] =	vst v63  }
0x95: {  	_ =	swait.ge [sflag:s29], $0x4000  }
.Ltmp1:
0x96: {  	[sflag:s29] =	ssyncset.done $0x0;
	(pc) =	sbr.rel @p1 .LBB2_4-.Ltmp1, $4  }
0x97: {  	s5 =	sadd.s32 $0x2780, s5;
	[sflag:s29] =	ssyncadd.s32 $0xFFFFC000  }
0x98: {  	[spmem:s2] =	stream.indirect.scatter.add.f32 [tilespmem:s26], [sflag:$0x5], $0x80, s5, s21, $0xb8;
	[tilespmem:$0x1ED80] =	vst v63  }
0x99: {  	_ =	swait.ge [sflag:s18], $0x4000  }
0x9a: {  	s6 =	smov.u32 s10;
	s5 =	sshra.s32 s8, $0x2;
	[sflag:s18] =	ssyncset.done $0x0  }
0x9b: {  	s6 =	sadd.s32 $0xD80, s5;
	[sflag:s18] =	ssyncadd.s32 $0xFFFFC000  }
0x9c: {  	[tilespmem:s26], [sflag:$0x4] =	stream.indirect.gather [hbm4b:s1+s21], $0x80, s6, s21, $0xb8;
	[tilespmem:$0x1ED80] =	vst v63  }
0x9d: {  	_ =	swait.ge [sflag:s28], $0x4000  }
0x9e: {  	[sflag:s28] =	ssyncset.done $0x0  }
0x9f: {  	s7 =	sadd.s32 $0x2700, s5;
	[sflag:s28] =	ssyncadd.s32 $0xFFFFC000  }
0xa0: {  	[spmem:s2] =	stream.indirect.scatter.add.f32 [tilespmem:s22], [sflag:$0x5], $0x80, s7, s21, $0xb8;
	[tilespmem:$0x1ED80] =	vst v63  }
0xa1: {  	_ =	swait.ge [sflag:s18], $0x4000  }
0xa2: {  	[sflag:s18] =	ssyncset.done $0x0  }
0xa3: {  	s8 =	sadd.s32 $0xE00, s5;
	[sflag:s18] =	ssyncadd.s32 $0xFFFFC000  }
0xa4: {  	[tilespmem:s22], [sflag:$0x3] =	stream.indirect.gather [hbm4b:s1+s21], $0x80, s8, s21, $0xb8;
	[tilespmem:$0x1ED80] =	vst v63  }
0xa5: {  	_ =	swait.ge [sflag:s29], $0x4000  }
0xa6: {  	[sflag:s29] =	ssyncset.done $0x0  }
0xa7: {  	s10 =	sadd.s32 $0x2780, s5;
	[sflag:s29] =	ssyncadd.s32 $0xFFFFC000  }
0xa8: {  	[spmem:s2] =	stream.indirect.scatter.add.f32 [tilespmem:s26], [sflag:$0x5], $0x80, s10, s21, $0xb8;
	[tilespmem:$0x1ED80] =	vst v63  }
0xa9: {  	_ =	swait.ge [sflag:s18], $0x4000  }
0xaa: {  	[sflag:s18] =	ssyncset.done $0x0  }
0xab: {  	s6 =	simm.s32 $0x1980;
	[sflag:s18] =	ssyncadd.s32 $0xFFFFC000  }
0xac: {  	[tilespmem:s26], [sflag:$0x4] =	stream.indirect.gather [hbm4b:s1+s21], $0x80, s6, s21, $0xb8;
	[tilespmem:$0x1ED80] =	vst v63  }
0xad: {  	_ =	swait.ge [sflag:s28], $0x4000  }
0xae: {  	[sflag:s28] =	ssyncset.done $0x0  }
0xaf: {  	s7 =	simm.s32 $0x3300;
	[sflag:s28] =	ssyncadd.s32 $0xFFFFC000  }
0xb0: {  	[spmem:s2] =	stream.indirect.scatter.add.f32 [tilespmem:s22], [sflag:$0x5], $0x80, s7, s21, $0xb8;
	[tilespmem:$0x1ED80] =	vst v63  }
0xb1: {  	_ =	swait.ge [sflag:s18], $0x4000  }
0xb2: {  	[sflag:s18] =	ssyncset.done $0x0  }
0xb3: {  	[sflag:s18] =	ssyncadd.s32 $0xFFFFC000  }
0xb4: {  	_ =	swait.ge [sflag:s29], $0x4000  }
0xb5: {  	[sflag:s29] =	ssyncset.done $0x0  }
0xb6: {  	s8 =	simm.s32 $0x3380;
	[sflag:s29] =	ssyncadd.s32 $0xFFFFC000  }
0xb7: {  	[spmem:s2] =	stream.indirect.scatter.add.f32 [tilespmem:s26], [sflag:$0x5], $0x80, s8, s21, $0xb8;
	[tilespmem:$0x1ED80] =	vst v63  }
0xb8: {  	_ =	swait.ge [sflag:s18], $0x4000  }
0xb9: {  	[sflag:s18] =	ssyncset.done $0x0  }
0xba: {  	[sflag:s18] =	ssyncadd.s32 $0xFFFFC000  }
0xbb: {  	_ =	swait.ge [sflag:s19], $0xD00  }
0xbc: {  	[sflag:s19] =	ssyncset.done $0x0  }
0xbd: {  	[sflag:s19] =	ssyncadd.s32 $0xFFFFF300  }
0xbe: {  	_ =	swait.ge [sflag:s20], $0xD00  }
0xbf: {  	[sflag:s20] =	ssyncset.done $0x0  }
0xc0: {  	s10 =	simm.s32 $0x0;
	[sflag:s20] =	ssyncadd.s32 $0xFFFFF300  }
0xc1: {  	[tilespmem:s22], [sflag:$0x3] =	stream.indirect.gather [hbm4b:s1+s21], $0x80, s10, s21, $0xb8;
	[tilespmem:$0x1ED80] =	vst v63  }
0xc2: {  	s6 =	simm.s32 $0x80  }
0xc3: {  	[tilespmem:s26], [sflag:$0x4] =	stream.indirect.gather [hbm4b:s1+s21], $0x80, s6, s21, $0xb8;
	[tilespmem:$0x1ED80] =	vst v63  }
0xc4: {  	_ =	swait.ge [sflag:s28], $0x4000  }
0xc5: {  	[sflag:s28] =	ssyncset.done $0x0  }
0xc6: {  	s7 =	simm.s32 $0x1A00;
	[sflag:s28] =	ssyncadd.s32 $0xFFFFC000  }
0xc7: {  	[spmem:s2] =	stream.indirect.scatter.add.f32 [tilespmem:s22], [sflag:$0x5], $0x80, s7, s21, $0xb8;
	[tilespmem:$0x1ED80] =	vst v63  }
0xc8: {  	_ =	swait.ge [sflag:s18], $0x4000  }
0xc9: {  	[sflag:s18] =	ssyncset.done $0x0  }
0xca: {  	s8 =	simm.s32 $0x100;
	[sflag:s18] =	ssyncadd.s32 $0xFFFFC000  }
0xcb: {  	[tilespmem:s22], [sflag:$0x3] =	stream.indirect.gather [hbm4b:s1+s21], $0x80, s8, s21, $0xb8;
	[tilespmem:$0x1ED80] =	vst v63  }
0xcc: {  	_ =	swait.ge [sflag:s29], $0x4000  }
0xcd: {  	[sflag:s29] =	ssyncset.done $0x0  }
0xce: {  	s10 =	simm.s32 $0x1A80;
	[sflag:s29] =	ssyncadd.s32 $0xFFFFC000  }
0xcf: {  	[spmem:s2] =	stream.indirect.scatter.add.f32 [tilespmem:s26], [sflag:$0x5], $0x80, s10, s21, $0xb8;
	[tilespmem:$0x1ED80] =	vst v63  }
0xd0: {  	_ =	swait.ge [sflag:s18], $0x4000  }
0xd1: {  	s5 =	simm.s32 $0x100;
	s6 =	simm.s32 $0x800;
	[sflag:s18] =	ssyncset.done $0x0  }
.LBB2_6:
0xd2: {  	s7 =	sadd.s32 $0x80, s5  }
0xd3: {  	[sflag:s18] =	ssyncadd.s32 $0xFFFFC000;
	s8 =	smov.u32 s6;
	s10 =	sadd.s32 $0x400, s6  }
0xd4: {  	[tilespmem:s26], [sflag:$0x4] =	stream.indirect.gather [hbm4b:s1+s21], $0x80, s7, s21, $0xb8;
	[tilespmem:$0x1ED80] =	vst v63  }
0xd5: {  	p1 =	sne.s32 s6, $0x2C00;
	_ =	swait.ge [sflag:s28], $0x4000  }
0xd6: {  	[sflag:s28] =	ssyncset.done $0x0  }
0xd7: {  	s6 =	sadd.s32 $0x1A00, s5;
	[sflag:s28] =	ssyncadd.s32 $0xFFFFC000  }
0xd8: {  	[spmem:s2] =	stream.indirect.scatter.add.f32 [tilespmem:s22], [sflag:$0x5], $0x80, s6, s21, $0xb8;
	[tilespmem:$0x1ED80] =	vst v63  }
0xd9: {  	_ =	swait.ge [sflag:s18], $0x4000  }
0xda: {  	[sflag:s18] =	ssyncset.done $0x0  }
0xdb: {  	s6 =	sadd.s32 $0x100, s5;
	[sflag:s18] =	ssyncadd.s32 $0xFFFFC000  }
0xdc: {  	[tilespmem:s22], [sflag:$0x3] =	stream.indirect.gather [hbm4b:s1+s21], $0x80, s6, s21, $0xb8;
	[tilespmem:$0x1ED80] =	vst v63  }
0xdd: {  	_ =	swait.ge [sflag:s29], $0x4000  }
.Ltmp2:
0xde: {  	[sflag:s29] =	ssyncset.done $0x0;
	(pc) =	sbr.rel @p1 .LBB2_6-.Ltmp2, $4  }
0xdf: {  	s5 =	sadd.s32 $0x1A80, s5;
	[sflag:s29] =	ssyncadd.s32 $0xFFFFC000  }
0xe0: {  	[spmem:s2] =	stream.indirect.scatter.add.f32 [tilespmem:s26], [sflag:$0x5], $0x80, s5, s21, $0xb8;
	[tilespmem:$0x1ED80] =	vst v63  }
0xe1: {  	_ =	swait.ge [sflag:s18], $0x4000  }
0xe2: {  	s6 =	smov.u32 s10;
	s5 =	sshra.s32 s8, $0x2;
	[sflag:s18] =	ssyncset.done $0x0  }
0xe3: {  	s6 =	sadd.s32 $0x80, s5;
	[sflag:s18] =	ssyncadd.s32 $0xFFFFC000  }
0xe4: {  	[tilespmem:s26], [sflag:$0x4] =	stream.indirect.gather [hbm4b:s1+s21], $0x80, s6, s21, $0xb8;
	[tilespmem:$0x1ED80] =	vst v63  }
0xe5: {  	_ =	swait.ge [sflag:s28], $0x4000  }
0xe6: {  	[sflag:s28] =	ssyncset.done $0x0  }
0xe7: {  	s7 =	sadd.s32 $0x1A00, s5;
	[sflag:s28] =	ssyncadd.s32 $0xFFFFC000  }
0xe8: {  	[spmem:s2] =	stream.indirect.scatter.add.f32 [tilespmem:s22], [sflag:$0x5], $0x80, s7, s21, $0xb8;
	[tilespmem:$0x1ED80] =	vst v63  }
0xe9: {  	_ =	swait.ge [sflag:s18], $0x4000  }
0xea: {  	[sflag:s18] =	ssyncset.done $0x0  }
0xeb: {  	s8 =	sadd.s32 $0x100, s5;
	[sflag:s18] =	ssyncadd.s32 $0xFFFFC000  }
0xec: {  	[tilespmem:s22], [sflag:$0x3] =	stream.indirect.gather [hbm4b:s1+s21], $0x80, s8, s21, $0xb8;
	[tilespmem:$0x1ED80] =	vst v63  }
0xed: {  	_ =	swait.ge [sflag:s29], $0x4000  }
0xee: {  	[sflag:s29] =	ssyncset.done $0x0  }
0xef: {  	s10 =	sadd.s32 $0x1A80, s5;
	[sflag:s29] =	ssyncadd.s32 $0xFFFFC000  }
0xf0: {  	[spmem:s2] =	stream.indirect.scatter.add.f32 [tilespmem:s26], [sflag:$0x5], $0x80, s10, s21, $0xb8;
	[tilespmem:$0x1ED80] =	vst v63  }
0xf1: {  	_ =	swait.ge [sflag:s18], $0x4000  }
0xf2: {  	[sflag:s18] =	ssyncset.done $0x0  }
0xf3: {  	[sflag:s18] =	ssyncadd.s32 $0xFFFFC000  }
0xf4: {  	[tilespmem:s26], [sflag:$0x4] =	stream.indirect.gather [hbm4b:s1+s21], $0x80, s30, s21, $0xb8;
	[tilespmem:$0x1ED80] =	vst v63  }
0xf5: {  	_ =	swait.ge [sflag:s28], $0x4000  }
0xf6: {  	[sflag:s28] =	ssyncset.done $0x0  }
0xf7: {  	[sflag:s28] =	ssyncadd.s32 $0xFFFFC000  }
0xf8: {  	[spmem:s2] =	stream.indirect.scatter.add.f32 [tilespmem:s22], [sflag:$0x5], $0x80, s31, s21, $0xb8;
	[tilespmem:$0x1ED80] =	vst v63  }
0xf9: {  	_ =	swait.ge [sflag:s18], $0x4000  }
0xfa: {  	[sflag:s18] =	ssyncset.done $0x0  }
0xfb: {  	[sflag:s18] =	ssyncadd.s32 $0xFFFFC000  }
0xfc: {  	_ =	swait.ge [sflag:s29], $0x4000  }
0xfd: {  	[sflag:s29] =	ssyncset.done $0x0  }
0xfe: {  	[sflag:s29] =	ssyncadd.s32 $0xFFFFC000  }
0xff: {  	[spmem:s2] =	stream.indirect.scatter.add.f32 [tilespmem:s26], [sflag:$0x5], $0x80, s0, s21, $0xb8;
	[tilespmem:$0x1ED80] =	vst v63  }
0x100: {  	_ =	swait.ge [sflag:s18], $0x4000  }
0x101: {  	s5 =	simm.s32 @!p0 $0x0;
	[sflag:s18] =	ssyncset.done $0x0  }
0x102: {  	s6 =	simm.s32 @!p0 $0x3400;
	s7 =	simm.s32 @!p0 $0x5;
	[sflag:s18] =	ssyncadd.s32 $0xFFFFC000  }
0x103: {  	[tilespmem:s6], [sflag:$0x5] =	stream.linear.gather @!p0 [hbm4b:s14+s5], $0x80, $0x38;
	[tilespmem:$0x1ED80] =	vst v63  }
0x104: {  	_ =	swait.ge @!p0 [sflag:s7], $0x80  }
0x105: {  	[sflag:s7] =	ssyncset.done @!p0 $0x0  }
0x106: {  	s8 =	simm.s32 @!p0 $0x3480;
	[sflag:s7] =	ssyncadd.s32 @!p0 $0xFFFFFF80  }
0x107: {  	[tilespmem:s8], [sflag:$0x5] =	stream.linear.gather @!p0 [hbm4b:s15+s5], $0x80, $0x38;
	[tilespmem:$0x1ED80] =	vst v63  }
0x108: {  	_ =	swait.ge @!p0 [sflag:s7], $0x80  }
0x109: {  	[sflag:s7] =	ssyncset.done @!p0 $0x0  }
0x10a: {  	s10 =	simm.s32 @!p0 $0x3500;
	s5 =	simm.s32 @!p0 $0x80;
	[sflag:s7] =	ssyncadd.s32 @!p0 $0xFFFFFF80  }
0x10b: {  	[tilespmem:s10], [sflag:$0x3] =	stream.indirect.gather @!p0 [hbm4b:s1+s5], $0x80, s6, s5, $0xb8;
	[tilespmem:$0x1ED80] =	vst v63  }
0x10c: {  	s6 =	simm.s32 @!p0 $0x3  }
0x10d: {  	_ =	swait.ge @!p0 [sflag:s6], $0x4000  }
0x10e: {  	[sflag:s6] =	ssyncset.done @!p0 $0x0  }
0x10f: {  	[sflag:s6] =	ssyncadd.s32 @!p0 $0xFFFFC000  }
0x110: {  	[spmem:s2] =	stream.indirect.scatter.add.f32 @!p0 [tilespmem:s10], [sflag:$0x5], $0x80, s8, s5, $0xb8;
	[tilespmem:$0x1ED80] =	vst v63  }
0x111: {  	_ =	swait.ge @!p0 [sflag:s7], $0x4000  }
0x112: {  	s25 =	sadd.s32 $0x1, s25;
	[sflag:s7] =	ssyncset.done @!p0 $0x0  }
0x113: {  	p1 =	sne.s32 s25, s16;
	[sflag:s7] =	ssyncadd.s32 @!p0 $0xFFFFC000  }
.Ltmp3:
0x114: {  	[bflag:$0x0] =	sbarrier.arrive $0xFFFF;
	(pc) =	sbr.rel @p1 .LBB2_1-.Ltmp3, $4  }
0x115: {  	[hbm:s24], [sflag:s9] =	dma.local [spmem:s3], $0x2800  }
0x116: {  	_ =	swait.ge [sflag:s18], $0x2800  }
0x117: {  	[sflag:s18] =	ssyncset.done $0x0  }
0x118: {  	[sflag:s18] =	ssyncadd.s32 $0xFFFFD800  }
0x119: {  	_ =	sfence.sel $0x180000  }
0x11a: {  	[bflag:$0x0] =	sbarrier.arrive $0xFFFF  }
0x11b: {  	_ =	strace $0x90000047  }
0x11c: {  	s0 =	stileid.u32;
	[bflag:$0x2] =	sbarrier.arrive $0xFFFF  }
0x11d: {  	p0 =	sne.s32 s0, $0x0;
	s0 =	rddreg [dreg:$0x3]  }
0x11e: {  	s0 =	sadd.s32 @!p0 $0x100000, s0  }
0x11f: {  	[sflag:s0] =	ssyncadd.tile.s32 @!p0 $0x1;
	_ =	shalt  }
.Lfunc_end2:
_tile_overlayer_lowered:
.L_overlay_start_2:
0x120: {  	(tag) =	ssettag $0x2  }
0x121: {  	s0 =	rddreg [dreg:$0x0];
	s2 =	stileid.u32  }
0x122: {  	s1 =	rddreg [dreg:$0x1];
	p0 =	sne.s32 s2, $0x0  }
0x123: {  	s3 =	rddreg [dreg:$0x2];
	[bflag:$0x3] =	sbarrier.arrive $0xFFFF;
	s2 =	simm.s32 @!p0 $0x1C05  }
0x124: {  	[timem:s3], [sflag:s2] =	dma.local @!p0 [hbm:s0], s1  }
0x125: {  	s0 =	simm.s32 @!p0 $0x5  }
0x126: {  	_ =	swait.ge @!p0 [sflag:s0], s1  }
0x127: {  	s1 =	ssub.s32 @!p0 $0x0, s1;
	[sflag:s0] =	ssyncset.done @!p0 $0x0  }
0x128: {  	[sflag:s0] =	ssyncadd.s32 @!p0 s1  }
0x129: {  	[bflag:$0x3] =	sbarrier.arrive $0xFFFF  }
0x12a: {  	_ =	shalt  }

</sc_bundles>
